<compile_context>
chip_gen: v7x
topology: tpu7x:2x2x1
jax: 0.10.2.dev20260603
libtpu: 0.0.44.dev20260713+nightly
codegen_flags: <defaults>
</compile_context>

<pallas_src>
import functools

import jax
import jax.numpy as jnp
from jax import lax
from jax.experimental import pallas as pl
from jax.experimental.pallas import tpu as pltpu
from jax.experimental.pallas import tpu_sc as plsc

N = 10000
E = 320000
D = 128
H = 128
A = 32
G = 512

NC = 2
NS = 16
NW = NC * NS
EPW = E // NW
CH = 40
NCHUNK = EPW // CH
NPAD = 10240
RPT = NPAD // NS
NBUF = 5

_mesh = plsc.VectorSubcoreMesh(core_axis_name="c", subcore_axis_name="s")


@functools.partial(
    pl.kernel,
    out_type=jax.ShapeDtypeStruct((NC, NPAD, D), jnp.float32),
    mesh=_mesh,
    scratch_types=[
        pltpu.VMEM((EPW,), jnp.int32),
        pltpu.VMEM((EPW,), jnp.int32),
    ] + [pltpu.VMEM((CH, D), jnp.float32) for _ in range(NBUF)] + [
        pltpu.VMEM_SHARED((NPAD, D), jnp.float32),
    ] + [pltpu.SemaphoreType.DMA for _ in range(NBUF)],
)
def _sc_agg(x_hbm, src_hbm, dst_hbm, zeros_hbm, out_hbm,
            src_v, dst_v, *rest):
    rbufs = rest[:NBUF]
    agg_sh = rest[NBUF]
    sems = rest[NBUF + 1:]
    c = lax.axis_index("c")
    s = lax.axis_index("s")
    wid = c * NS + s
    @pl.when(c == 0)
    def _():
        pltpu.sync_copy(x_hbm.at[pl.ds(s * RPT, RPT)],
                        agg_sh.at[pl.ds(s * RPT, RPT)])

    @pl.when(c != 0)
    def _():
        pltpu.sync_copy(zeros_hbm, agg_sh.at[pl.ds(s * RPT, RPT)])

    pltpu.sync_copy(src_hbm.at[wid], src_v)
    pltpu.sync_copy(dst_hbm.at[wid], dst_v)
    plsc.subcore_barrier()

    def gather(j, buf, sem):
        pltpu.async_copy(x_hbm.at[src_v.at[pl.ds(j * CH, CH)]], buf, sem)

    def wait_scatter(j, buf, sem):
        pltpu.make_async_copy(x_hbm.at[src_v.at[pl.ds(j * CH, CH)]], buf,
                              sem).wait()
        pltpu.sync_copy(buf, agg_sh.at[dst_v.at[pl.ds(j * CH, CH)]],
                        add=True)

    bufs = tuple(zip(rbufs, sems))
    for b in range(NBUF - 1):
        gather(b, *bufs[b])

    def body(k, carry):
        base = NBUF * k

        @pl.when(base + NBUF - 1 < NCHUNK)
        def _():
            gather(base + NBUF - 1, *bufs[NBUF - 1])

        for b in range(NBUF):
            @pl.when(base + b < NCHUNK)
            def _(b=b):
                wait_scatter(base + b, *bufs[b])
            if b < NBUF - 1:
                @pl.when(base + NBUF + b < NCHUNK)
                def _(b=b):
                    gather(base + NBUF + b, *bufs[b])
        return carry

    lax.fori_loop(0, (NCHUNK + NBUF - 1) // NBUF, body, 0, unroll=False)
    plsc.subcore_barrier()
    pltpu.sync_copy(agg_sh.at[pl.ds(s * RPT, RPT)],
                    out_hbm.at[c, pl.ds(s * RPT, RPT)])


MB = 1024


def _tc_mlp_body(a0_ref, a1_ref, w1_ref, b1_ref, w2_ref, b2_ref,
                 out_ref):
    z = a0_ref[...] + a1_ref[...]
    h = jnp.maximum(
        jnp.dot(z, w1_ref[...], preferred_element_type=jnp.float32)
        + b1_ref[...], 0.0)
    o = jnp.dot(h, w2_ref[...], preferred_element_type=jnp.float32) \
        + b2_ref[...]
    out_ref[...] = jnp.maximum(o, 0.0)


def _tc_mlp(a0, a1, w1, b1, w2, b2):
    row_spec = pl.BlockSpec((MB, D), lambda i: (i, 0))
    full = pl.BlockSpec((D, H), lambda i: (0, 0))
    vec = pl.BlockSpec((H,), lambda i: (0,))
    return pl.pallas_call(
        _tc_mlp_body,
        grid=(NPAD // MB,),
        in_specs=[row_spec, row_spec, full, vec, full, vec],
        out_specs=pl.BlockSpec((MB, H), lambda i: (i, 0)),
        out_shape=jax.ShapeDtypeStruct((NPAD, H), jnp.float32),
    )(a0, a1, w1, b1, w2, b2)


def _tc_tail_body(a0_ref, a1_ref, bid_ref, w1_ref, b1_ref, w2_ref, b2_ref,
                  wv1_ref, bv1_ref, wv2_ref, bv2_ref,
                  wa1_ref, ba1_ref, wa2_ref, ba2_ref,
                  out_ref, sums_acc, cnt_acc):
    i = pl.program_id(0)
    z = a0_ref[...] + a1_ref[...]
    h = jnp.maximum(
        jnp.dot(z, w1_ref[...], preferred_element_type=jnp.float32)
        + b1_ref[...], 0.0)
    h2 = jnp.maximum(
        jnp.dot(h, w2_ref[...], preferred_element_type=jnp.float32)
        + b2_ref[...], 0.0)
    onehot = (bid_ref[...][:, None]
              == jax.lax.broadcasted_iota(jnp.int32, (MB, G), 1)
              ).astype(jnp.float32)
    psum = jax.lax.dot_general(onehot, h2, (((0,), (0,)), ((), ())),
                               preferred_element_type=jnp.float32)
    pcnt = jnp.sum(onehot, axis=0)

    @pl.when(i == 0)
    def _():
        sums_acc[...] = psum
        cnt_acc[0, :] = pcnt

    @pl.when(i > 0)
    def _():
        sums_acc[...] += psum
        cnt_acc[0, :] += pcnt

    @pl.when(i == NPAD // MB - 1)
    def _():
        cnt_col = jax.lax.transpose(cnt_acc[0:1, :], (1, 0))
        pooled = sums_acc[...] / jnp.maximum(cnt_col, 1.0)
        v = jnp.maximum(
            jnp.dot(pooled, wv1_ref[...], preferred_element_type=jnp.float32)
            + bv1_ref[...], 0.0)
        v = jnp.dot(v, wv2_ref[...], preferred_element_type=jnp.float32) \
            + bv2_ref[...]
        a = jnp.maximum(
            jnp.dot(pooled, wa1_ref[...], preferred_element_type=jnp.float32)
            + ba1_ref[...], 0.0)
        a = jnp.dot(a, wa2_ref[...], preferred_element_type=jnp.float32) \
            + ba2_ref[...]
        a = a[:, :A]
        out_ref[...] = v[:, 0:1] + a - jnp.mean(a, axis=1, keepdims=True)


def _tc_tail(a0, a1, bid, w1, b1, w2, b2,
             wv1, bv1, wv2p, bv2p, wa1, ba1, wa2p, ba2p):
    row_spec = pl.BlockSpec((MB, D), lambda i: (i, 0))
    row1_spec = pl.BlockSpec((MB,), lambda i: (i,))
    full = pl.BlockSpec((D, H), lambda i: (0, 0))
    vec = pl.BlockSpec((H,), lambda i: (0,))
    return pl.pallas_call(
        _tc_tail_body,
        grid=(NPAD // MB,),
        in_specs=[row_spec, row_spec, row1_spec, full, vec, full, vec,
                  full, vec, full, vec, full, vec, full, vec],
        out_specs=pl.BlockSpec((G, A), lambda i: (0, 0)),
        out_shape=jax.ShapeDtypeStruct((G, A), jnp.float32),
        scratch_shapes=[pltpu.VMEM((G, H), jnp.float32),
                        pltpu.VMEM((8, G), jnp.float32)],
    )(a0, a1, bid, w1, b1, w2, b2,
      wv1, bv1, wv2p, bv2p, wa1, ba1, wa2p, ba2p)


def kernel(x, edge_index, batch, W1a, b1a, W2a, b2a, W1b, b1b, W2b, b2b,
           Wv1, bv1, Wv2, bv2, Wa1, ba1, Wa2, ba2):
    src2d = edge_index[0].reshape(NW, EPW)
    dst2d = edge_index[1].reshape(NW, EPW)
    zeros_agg = jnp.zeros((RPT, D), jnp.float32)
    wv2p = jnp.zeros((H, H), jnp.float32).at[:, 0:1].set(Wv2)
    bv2p = jnp.zeros((H,), jnp.float32).at[0].set(bv2[0])
    wa2p = jnp.zeros((H, H), jnp.float32).at[:, :A].set(Wa2)
    ba2p = jnp.zeros((H,), jnp.float32).at[:A].set(ba2)

    x_pad = jnp.zeros((NPAD, D), jnp.float32).at[:N].set(x)
    bid_pad = jnp.concatenate(
        [batch, jnp.full((NPAD - N,), G, jnp.int32)])
    agg1 = _sc_agg(x_pad, src2d, dst2d, zeros_agg)
    h1 = _tc_mlp(agg1[0], agg1[1], W1a, b1a, W2a, b2a)
    agg2 = _sc_agg(h1, src2d, dst2d, zeros_agg)
    return _tc_tail(agg2[0], agg2[1], bid_pad, W1b, b1b, W2b, b2b,
                    Wv1, bv1, wv2p, bv2p, Wa1, ba1, wa2p, ba2p)

# --- scband reference (transcript-rebuilt; emitter-appended) ---
"""Pipeline reference for scband-ginnetwork-50921132261407 (READ-ONLY COPY).

The authoritative reference and input builder live on the scoring server;
editing this copy changes nothing except your own understanding.
"""

import jax, jax.numpy as jnp
import numpy as np

N = 10000
E = 320000
D = 128
H = 128
A = 32
G = 512


def setup_inputs(seed: int = 0) -> dict:
    key = jax.random.key(seed)
    ks = jax.random.split(key, 20)
    x = jax.random.normal(ks[0], (N, D), dtype=jnp.float32)
    edge_index = jax.random.randint(ks[1], (2, E), 0, N, dtype=jnp.int32)
    batch = jnp.sort(jax.random.randint(ks[2], (N,), 0, G, dtype=jnp.int32))
    s = 0.05
    params = {
        'W1a': jax.random.normal(ks[3], (D, H), jnp.float32) * s,
        'b1a': jnp.zeros((H,), jnp.float32),
        'W2a': jax.random.normal(ks[4], (H, H), jnp.float32) * s,
        'b2a': jnp.zeros((H,), jnp.float32),
        'W1b': jax.random.normal(ks[5], (H, H), jnp.float32) * s,
        'b1b': jnp.zeros((H,), jnp.float32),
        'W2b': jax.random.normal(ks[6], (H, H), jnp.float32) * s,
        'b2b': jnp.zeros((H,), jnp.float32),
        'Wv1': jax.random.normal(ks[7], (H, H), jnp.float32) * s,
        'bv1': jnp.zeros((H,), jnp.float32),
        'Wv2': jax.random.normal(ks[8], (H, 1), jnp.float32) * s,
        'bv2': jnp.zeros((1,), jnp.float32),
        'Wa1': jax.random.normal(ks[9], (H, H), jnp.float32) * s,
        'ba1': jnp.zeros((H,), jnp.float32),
        'Wa2': jax.random.normal(ks[10], (H, A), jnp.float32) * s,
        'ba2': jnp.zeros((A,), jnp.float32),
    }
    out = {'x': x, 'edge_index': edge_index, 'batch': batch}
    out.update(params)
    return out


def _gin_conv(x, edge_index, W1, b1, W2, b2, eps=0.0):
    src = edge_index[0]
    dst = edge_index[1]
    agg = jnp.zeros_like(x).at[dst].add(x[src])
    h = (1.0 + eps) * x + agg
    h = jnp.maximum(h @ W1 + b1, 0.0)
    h = h @ W2 + b2
    return h


def reference(x, edge_index, batch, W1a, b1a, W2a, b2a, W1b, b1b, W2b, b2b, Wv1, bv1, Wv2, bv2, Wa1, ba1, Wa2, ba2):
    h = jnp.maximum(_gin_conv(x, edge_index, W1a, b1a, W2a, b2a), 0.0)
    h = jnp.maximum(_gin_conv(h, edge_index, W1b, b1b, W2b, b2b), 0.0)
    # global mean pool over graphs in the batch
    sums = jax.ops.segment_sum(h, batch, num_segments=G)
    counts = jax.ops.segment_sum(jnp.ones((h.shape[0],), h.dtype), batch, num_segments=G)
    pooled = sums / jnp.maximum(counts, 1.0)[:, None]
    value = jnp.maximum(pooled @ Wv1 + bv1, 0.0)
    value = value @ Wv2 + bv2
    adv = jnp.maximum(pooled @ Wa1 + ba1, 0.0)
    adv = adv @ Wa2 + ba2
    return value + (adv - jnp.mean(adv, axis=1, keepdims=True))

if __name__ == "__main__":
    import jax
    _d = setup_inputs()
    print(jax.jit(kernel)(*tuple(_d.values())))

</pallas_src>

<mosaic_0001>
#map = affine_map<(d0, d1) -> (0, 0)>
#map1 = affine_map<(d0, d1) -> (0, 0, 0)>
module attributes {stable_mosaic.version = 14 : i64} {
  func.func @_sc_agg(%arg0: i32, %arg1: i32, %arg2: memref<10240x128xf32, #tpu.memory_space<hbm>>, %arg3: memref<32x10000xi32, #tpu.memory_space<hbm>>, %arg4: memref<32x10000xi32, #tpu.memory_space<hbm>>, %arg5: memref<640x128xf32, #tpu.memory_space<hbm>>, %arg6: memref<2x10240x128xf32, #tpu.memory_space<hbm>>, %arg7: memref<10000xi32, #tpu.memory_space<vmem>>, %arg8: memref<10000xi32, #tpu.memory_space<vmem>>, %arg9: memref<40x128xf32, #tpu.memory_space<vmem>>, %arg10: memref<40x128xf32, #tpu.memory_space<vmem>>, %arg11: memref<40x128xf32, #tpu.memory_space<vmem>>, %arg12: memref<40x128xf32, #tpu.memory_space<vmem>>, %arg13: memref<40x128xf32, #tpu.memory_space<vmem>>, %arg14: memref<10240x128xf32, #tpu.memory_space<vmem_shared>>, %arg15: memref<!tpu.dma_semaphore, #tpu.memory_space<semaphore_mem>>, %arg16: memref<!tpu.dma_semaphore, #tpu.memory_space<semaphore_mem>>, %arg17: memref<!tpu.dma_semaphore, #tpu.memory_space<semaphore_mem>>, %arg18: memref<!tpu.dma_semaphore, #tpu.memory_space<semaphore_mem>>, %arg19: memref<!tpu.dma_semaphore, #tpu.memory_space<semaphore_mem>>) attributes {dimension_semantics = [#tpu.dimension_semantics<core_parallel>, #tpu.dimension_semantics<subcore_parallel>], iteration_bounds = array<i64: 2, 16>, scalar_prefetch = 0 : i64, scratch_operands = 13 : i64, tpu.core_type = #tpu.core_type<sc_vector_subcore>, window_params = [{transform_indices = #map}, {transform_indices = #map}, {transform_indices = #map}, {transform_indices = #map}, {transform_indices = #map1}]} {
    %mul3A = arith.constant 16 : i32
    %mul3A_0 = arith.muli %arg0, %mul3A : i32
    %add3A = arith.addi %mul3A_0, %arg1 : i32
    %eq3A = arith.constant 0 : i32
    %eq3A_1 = arith.cmpi eq, %arg0, %eq3A : i32
    %convert_element_type3A = arith.extui %eq3A_1 : i1 to i32
    %cond3A = arith.constant 0 : i32
    %cond3A_2 = arith.cmpi ne, %convert_element_type3A, %cond3A : i32
    scf.if %cond3A_2 {
      %mul3A_36 = arith.constant 640 : i32
      %mul3A_37 = arith.muli %arg1, %mul3A_36 : i32
      %mul3A_38 = arith.constant 640 : i32
      %mul3A_39 = arith.muli %arg1, %mul3A_38 : i32
      "tpu.region"() ({
        %run_scoped3A = tpu.sem_alloc : memref<!tpu.dma_semaphore, #tpu.memory_space<semaphore_mem>>
        %dma_start3A_40 = arith.constant 0 : i32
        %dma_start3A_41 = tpu.memref_slice %arg14[%mul3A_39, %dma_start3A_40] : memref<10240x128xf32, #tpu.memory_space<vmem_shared>> -> memref<640x128xf32, #tpu.memory_space<vmem_shared>>
        %dma_start3A_42 = arith.constant 0 : i32
        %dma_start3A_43 = tpu.memref_slice %arg2[%mul3A_37, %dma_start3A_42] : memref<10240x128xf32, #tpu.memory_space<hbm>> -> memref<640x128xf32, #tpu.memory_space<hbm>>
        tpu.enqueue_dma source(%dma_start3A_43 : memref<640x128xf32, #tpu.memory_space<hbm>>) target(%dma_start3A_41 : memref<640x128xf32, #tpu.memory_space<vmem_shared>>) target_semaphore(%run_scoped3A : memref<!tpu.dma_semaphore, #tpu.memory_space<semaphore_mem>>)
        %dma_wait3A = arith.constant 0 : i32
        %dma_wait3A_44 = tpu.memref_slice %arg14[%mul3A_39, %dma_wait3A] : memref<10240x128xf32, #tpu.memory_space<vmem_shared>> -> memref<640x128xf32, #tpu.memory_space<vmem_shared>>
        %dma_wait3A_45 = arith.constant 0 : i32
        %dma_wait3A_46 = tpu.memref_slice %arg2[%mul3A_37, %dma_wait3A_45] : memref<10240x128xf32, #tpu.memory_space<hbm>> -> memref<640x128xf32, #tpu.memory_space<hbm>>
        tpu.wait_dma2 semaphore(%run_scoped3A : memref<!tpu.dma_semaphore, #tpu.memory_space<semaphore_mem>>) src(%dma_wait3A_46 : memref<640x128xf32, #tpu.memory_space<hbm>>) dst(%dma_wait3A_44 : memref<640x128xf32, #tpu.memory_space<vmem_shared>>)
        tpu.yield
      }) : () -> ()
    } else {
    }
    %ne3A = arith.constant 0 : i32
    %ne3A_3 = arith.cmpi ne, %arg0, %ne3A : i32
    %convert_element_type3A_4 = arith.extui %ne3A_3 : i1 to i32
    %cond3A_5 = arith.constant 0 : i32
    %cond3A_6 = arith.cmpi ne, %convert_element_type3A_4, %cond3A_5 : i32
    scf.if %cond3A_6 {
      %mul3A_36 = arith.constant 640 : i32
      %mul3A_37 = arith.muli %arg1, %mul3A_36 : i32
      "tpu.region"() ({
        %run_scoped3A = tpu.sem_alloc : memref<!tpu.dma_semaphore, #tpu.memory_space<semaphore_mem>>
        %dma_start3A_38 = arith.constant 0 : i32
        %dma_start3A_39 = tpu.memref_slice %arg14[%mul3A_37, %dma_start3A_38] : memref<10240x128xf32, #tpu.memory_space<vmem_shared>> -> memref<640x128xf32, #tpu.memory_space<vmem_shared>>
        tpu.enqueue_dma source(%arg5 : memref<640x128xf32, #tpu.memory_space<hbm>>) target(%dma_start3A_39 : memref<640x128xf32, #tpu.memory_space<vmem_shared>>) target_semaphore(%run_scoped3A : memref<!tpu.dma_semaphore, #tpu.memory_space<semaphore_mem>>)
        %dma_wait3A = arith.constant 0 : i32
        %dma_wait3A_40 = tpu.memref_slice %arg14[%mul3A_37, %dma_wait3A] : memref<10240x128xf32, #tpu.memory_space<vmem_shared>> -> memref<640x128xf32, #tpu.memory_space<vmem_shared>>
        tpu.wait_dma2 semaphore(%run_scoped3A : memref<!tpu.dma_semaphore, #tpu.memory_space<semaphore_mem>>) src(%arg5 : memref<640x128xf32, #tpu.memory_space<hbm>>) dst(%dma_wait3A_40 : memref<640x128xf32, #tpu.memory_space<vmem_shared>>)
        tpu.yield
      }) : () -> ()
    } else {
    }
    "tpu.region"() ({
      %run_scoped3A = tpu.sem_alloc : memref<!tpu.dma_semaphore, #tpu.memory_space<semaphore_mem>>
      %dma_start3A_36 = arith.constant 0 : i32
      %dma_start3A_37 = tpu.memref_slice %arg3[%add3A, %dma_start3A_36] : memref<32x10000xi32, #tpu.memory_space<hbm>> -> memref<1x10000xi32, #tpu.memory_space<hbm>>
      %dma_start3A_38 = tpu.memref_squeeze %dma_start3A_37 : memref<1x10000xi32, #tpu.memory_space<hbm>> -> memref<10000xi32, #tpu.memory_space<hbm>>
      %dma_start3A_39 = arith.constant 0 : i32
      %dma_start3A_40 = tpu.memref_slice %arg3[%add3A, %dma_start3A_39] : memref<32x10000xi32, #tpu.memory_space<hbm>> -> memref<1x10000xi32, #tpu.memory_space<hbm>>
      %dma_start3A_41 = tpu.memref_squeeze %dma_start3A_40 : memref<1x10000xi32, #tpu.memory_space<hbm>> -> memref<10000xi32, #tpu.memory_space<hbm>>
      tpu.enqueue_dma source(%dma_start3A_41 : memref<10000xi32, #tpu.memory_space<hbm>>) target(%arg7 : memref<10000xi32, #tpu.memory_space<vmem>>) target_semaphore(%run_scoped3A : memref<!tpu.dma_semaphore, #tpu.memory_space<semaphore_mem>>)
      %dma_wait3A = arith.constant 0 : i32
      %dma_wait3A_42 = tpu.memref_slice %arg3[%add3A, %dma_wait3A] : memref<32x10000xi32, #tpu.memory_space<hbm>> -> memref<1x10000xi32, #tpu.memory_space<hbm>>
      %dma_wait3A_43 = tpu.memref_squeeze %dma_wait3A_42 : memref<1x10000xi32, #tpu.memory_space<hbm>> -> memref<10000xi32, #tpu.memory_space<hbm>>
      %dma_wait3A_44 = arith.constant 0 : i32
      %dma_wait3A_45 = tpu.memref_slice %arg3[%add3A, %dma_wait3A_44] : memref<32x10000xi32, #tpu.memory_space<hbm>> -> memref<1x10000xi32, #tpu.memory_space<hbm>>
      %dma_wait3A_46 = tpu.memref_squeeze %dma_wait3A_45 : memref<1x10000xi32, #tpu.memory_space<hbm>> -> memref<10000xi32, #tpu.memory_space<hbm>>
      tpu.wait_dma2 semaphore(%run_scoped3A : memref<!tpu.dma_semaphore, #tpu.memory_space<semaphore_mem>>) src(%dma_wait3A_46 : memref<10000xi32, #tpu.memory_space<hbm>>) dst(%arg7 : memref<10000xi32, #tpu.memory_space<vmem>>)
      tpu.yield
    }) : () -> ()
    "tpu.region"() ({
      %run_scoped3A = tpu.sem_alloc : memref<!tpu.dma_semaphore, #tpu.memory_space<semaphore_mem>>
      %dma_start3A_36 = arith.constant 0 : i32
      %dma_start3A_37 = tpu.memref_slice %arg4[%add3A, %dma_start3A_36] : memref<32x10000xi32, #tpu.memory_space<hbm>> -> memref<1x10000xi32, #tpu.memory_space<hbm>>
      %dma_start3A_38 = tpu.memref_squeeze %dma_start3A_37 : memref<1x10000xi32, #tpu.memory_space<hbm>> -> memref<10000xi32, #tpu.memory_space<hbm>>
      %dma_start3A_39 = arith.constant 0 : i32
      %dma_start3A_40 = tpu.memref_slice %arg4[%add3A, %dma_start3A_39] : memref<32x10000xi32, #tpu.memory_space<hbm>> -> memref<1x10000xi32, #tpu.memory_space<hbm>>
      %dma_start3A_41 = tpu.memref_squeeze %dma_start3A_40 : memref<1x10000xi32, #tpu.memory_space<hbm>> -> memref<10000xi32, #tpu.memory_space<hbm>>
      tpu.enqueue_dma source(%dma_start3A_41 : memref<10000xi32, #tpu.memory_space<hbm>>) target(%arg8 : memref<10000xi32, #tpu.memory_space<vmem>>) target_semaphore(%run_scoped3A : memref<!tpu.dma_semaphore, #tpu.memory_space<semaphore_mem>>)
      %dma_wait3A = arith.constant 0 : i32
      %dma_wait3A_42 = tpu.memref_slice %arg4[%add3A, %dma_wait3A] : memref<32x10000xi32, #tpu.memory_space<hbm>> -> memref<1x10000xi32, #tpu.memory_space<hbm>>
      %dma_wait3A_43 = tpu.memref_squeeze %dma_wait3A_42 : memref<1x10000xi32, #tpu.memory_space<hbm>> -> memref<10000xi32, #tpu.memory_space<hbm>>
      %dma_wait3A_44 = arith.constant 0 : i32
      %dma_wait3A_45 = tpu.memref_slice %arg4[%add3A, %dma_wait3A_44] : memref<32x10000xi32, #tpu.memory_space<hbm>> -> memref<1x10000xi32, #tpu.memory_space<hbm>>
      %dma_wait3A_46 = tpu.memref_squeeze %dma_wait3A_45 : memref<1x10000xi32, #tpu.memory_space<hbm>> -> memref<10000xi32, #tpu.memory_space<hbm>>
      tpu.wait_dma2 semaphore(%run_scoped3A : memref<!tpu.dma_semaphore, #tpu.memory_space<semaphore_mem>>) src(%dma_wait3A_46 : memref<10000xi32, #tpu.memory_space<hbm>>) dst(%arg8 : memref<10000xi32, #tpu.memory_space<vmem>>)
      tpu.yield
    }) : () -> ()
    %barrier3A = arith.constant 0 : index
    tpu.barrier barrier_id(%barrier3A)
    %dma_start3A = arith.constant 0 : i32
    %dma_start3A_7 = tpu.memref_slice %arg7[%dma_start3A] : memref<10000xi32, #tpu.memory_space<vmem>> -> memref<40xi32, #tpu.memory_space<vmem>>
    %dma_start3A_8 = arith.constant 0 : i32
    %dma_start3A_9 = arith.constant 0 : i32
    %dma_start3A_10 = tpu.memref_slice %arg2[%dma_start3A_8, %dma_start3A_9] : memref<10240x128xf32, #tpu.memory_space<hbm>> -> memref<10240x128xf32, #tpu.memory_space<hbm>>
    tpu.enqueue_indirect_dma source(%dma_start3A_10 : memref<10240x128xf32, #tpu.memory_space<hbm>>) target(%arg9 : memref<40x128xf32, #tpu.memory_space<vmem>>) offsets(%dma_start3A_7 : memref<40xi32, #tpu.memory_space<vmem>>) semaphore(%arg15 : memref<!tpu.dma_semaphore, #tpu.memory_space<semaphore_mem>>)
    %dma_start3A_11 = arith.constant 40 : i32
    %dma_start3A_12 = tpu.memref_slice %arg7[%dma_start3A_11] : memref<10000xi32, #tpu.memory_space<vmem>> -> memref<40xi32, #tpu.memory_space<vmem>>
    %dma_start3A_13 = arith.constant 0 : i32
    %dma_start3A_14 = arith.constant 0 : i32
    %dma_start3A_15 = tpu.memref_slice %arg2[%dma_start3A_13, %dma_start3A_14] : memref<10240x128xf32, #tpu.memory_space<hbm>> -> memref<10240x128xf32, #tpu.memory_space<hbm>>
    tpu.enqueue_indirect_dma source(%dma_start3A_15 : memref<10240x128xf32, #tpu.memory_space<hbm>>) target(%arg10 : memref<40x128xf32, #tpu.memory_space<vmem>>) offsets(%dma_start3A_12 : memref<40xi32, #tpu.memory_space<vmem>>) semaphore(%arg16 : memref<!tpu.dma_semaphore, #tpu.memory_space<semaphore_mem>>)
    %dma_start3A_16 = arith.constant 80 : i32
    %dma_start3A_17 = tpu.memref_slice %arg7[%dma_start3A_16] : memref<10000xi32, #tpu.memory_space<vmem>> -> memref<40xi32, #tpu.memory_space<vmem>>
    %dma_start3A_18 = arith.constant 0 : i32
    %dma_start3A_19 = arith.constant 0 : i32
    %dma_start3A_20 = tpu.memref_slice %arg2[%dma_start3A_18, %dma_start3A_19] : memref<10240x128xf32, #tpu.memory_space<hbm>> -> memref<10240x128xf32, #tpu.memory_space<hbm>>
    tpu.enqueue_indirect_dma source(%dma_start3A_20 : memref<10240x128xf32, #tpu.memory_space<hbm>>) target(%arg11 : memref<40x128xf32, #tpu.memory_space<vmem>>) offsets(%dma_start3A_17 : memref<40xi32, #tpu.memory_space<vmem>>) semaphore(%arg17 : memref<!tpu.dma_semaphore, #tpu.memory_space<semaphore_mem>>)
    %dma_start3A_21 = arith.constant 120 : i32
    %dma_start3A_22 = tpu.memref_slice %arg7[%dma_start3A_21] : memref<10000xi32, #tpu.memory_space<vmem>> -> memref<40xi32, #tpu.memory_space<vmem>>
    %dma_start3A_23 = arith.constant 0 : i32
    %dma_start3A_24 = arith.constant 0 : i32
    %dma_start3A_25 = tpu.memref_slice %arg2[%dma_start3A_23, %dma_start3A_24] : memref<10240x128xf32, #tpu.memory_space<hbm>> -> memref<10240x128xf32, #tpu.memory_space<hbm>>
    tpu.enqueue_indirect_dma source(%dma_start3A_25 : memref<10240x128xf32, #tpu.memory_space<hbm>>) target(%arg12 : memref<40x128xf32, #tpu.memory_space<vmem>>) offsets(%dma_start3A_22 : memref<40xi32, #tpu.memory_space<vmem>>) semaphore(%arg18 : memref<!tpu.dma_semaphore, #tpu.memory_space<semaphore_mem>>)
    %scan3A = arith.constant 0 : i32
    %scan3A_26 = arith.constant 0 : i32
    %scan3A_27 = arith.constant 50 : i32
    %scan3A_28 = arith.addi %scan3A_26, %scan3A_27 : i32
    %scan3A_29 = arith.constant 1 : i32
    scf.for %scan3A_36 = %scan3A_26 to %scan3A_28 step %scan3A_29  : i32 {
      %mul3A_37 = arith.constant 5 : i32
      %mul3A_38 = arith.muli %mul3A_37, %scan3A_36 : i32
      %add3A_39 = arith.constant 5 : i32
      %add3A_40 = arith.addi %mul3A_38, %add3A_39 : i32
      %sub3A = arith.constant 1 : i32
      %sub3A_41 = arith.subi %add3A_40, %sub3A : i32
      %lt3A = arith.constant 250 : i32
      %lt3A_42 = arith.cmpi slt, %sub3A_41, %lt3A : i32
      %convert_element_type3A_43 = arith.extui %lt3A_42 : i1 to i32
      %cond3A_44 = arith.constant 0 : i32
      %cond3A_45 = arith.cmpi ne, %convert_element_type3A_43, %cond3A_44 : i32
      scf.if %cond3A_45 {
        %add3A_117 = arith.constant 5 : i32
        %add3A_118 = arith.addi %mul3A_38, %add3A_117 : i32
        %sub3A_119 = arith.constant 1 : i32
        %sub3A_120 = arith.subi %add3A_118, %sub3A_119 : i32
        %mul3A_121 = arith.constant 40 : i32
        %mul3A_122 = arith.muli %sub3A_120, %mul3A_121 : i32
        %dma_start3A_123 = tpu.memref_slice %arg7[%mul3A_122] : memref<10000xi32, #tpu.memory_space<vmem>> -> memref<40xi32, #tpu.memory_space<vmem>>
        %dma_start3A_124 = arith.constant 0 : i32
        %dma_start3A_125 = arith.constant 0 : i32
        %dma_start3A_126 = tpu.memref_slice %arg2[%dma_start3A_124, %dma_start3A_125] : memref<10240x128xf32, #tpu.memory_space<hbm>> -> memref<10240x128xf32, #tpu.memory_space<hbm>>
        tpu.enqueue_indirect_dma source(%dma_start3A_126 : memref<10240x128xf32, #tpu.memory_space<hbm>>) target(%arg13 : memref<40x128xf32, #tpu.memory_space<vmem>>) offsets(%dma_start3A_123 : memref<40xi32, #tpu.memory_space<vmem>>) semaphore(%arg19 : memref<!tpu.dma_semaphore, #tpu.memory_space<semaphore_mem>>)
      } else {
      }
      %add3A_46 = arith.constant 0 : i32
      %add3A_47 = arith.addi %mul3A_38, %add3A_46 : i32
      %lt3A_48 = arith.constant 250 : i32
      %lt3A_49 = arith.cmpi slt, %add3A_47, %lt3A_48 : i32
      %convert_element_type3A_50 = arith.extui %lt3A_49 : i1 to i32
      %cond3A_51 = arith.constant 0 : i32
      %cond3A_52 = arith.cmpi ne, %convert_element_type3A_50, %cond3A_51 : i32
      scf.if %cond3A_52 {
        %add3A_117 = arith.constant 0 : i32
        %add3A_118 = arith.addi %mul3A_38, %add3A_117 : i32
        %mul3A_119 = arith.constant 40 : i32
        %mul3A_120 = arith.muli %add3A_118, %mul3A_119 : i32
        %dma_wait3A = tpu.memref_slice %arg7[%mul3A_120] : memref<10000xi32, #tpu.memory_space<vmem>> -> memref<40xi32, #tpu.memory_space<vmem>>
        %dma_wait3A_121 = arith.constant 0 : i32
        %dma_wait3A_122 = arith.constant 0 : i32
        %dma_wait3A_123 = tpu.memref_slice %arg2[%dma_wait3A_121, %dma_wait3A_122] : memref<10240x128xf32, #tpu.memory_space<hbm>> -> memref<10240x128xf32, #tpu.memory_space<hbm>>
        tpu.wait_indirect_dma semaphore(%arg15 : memref<!tpu.dma_semaphore, #tpu.memory_space<semaphore_mem>>) src(%dma_wait3A_123 : memref<10240x128xf32, #tpu.memory_space<hbm>>) dst(%arg9 : memref<40x128xf32, #tpu.memory_space<vmem>>)
        %mul3A_124 = arith.constant 40 : i32
        %mul3A_125 = arith.muli %add3A_118, %mul3A_124 : i32
        "tpu.region"() ({
          %run_scoped3A = tpu.sem_alloc : memref<!tpu.dma_semaphore, #tpu.memory_space<semaphore_mem>>
          %dma_start3A_126 = tpu.memref_slice %arg8[%mul3A_125] : memref<10000xi32, #tpu.memory_space<vmem>> -> memref<40xi32, #tpu.memory_space<vmem>>
          %dma_start3A_127 = arith.constant 0 : i32
          %dma_start3A_128 = arith.constant 0 : i32
          %dma_start3A_129 = tpu.memref_slice %arg14[%dma_start3A_127, %dma_start3A_128] : memref<10240x128xf32, #tpu.memory_space<vmem_shared>> -> memref<10240x128xf32, #tpu.memory_space<vmem_shared>>
          tpu.enqueue_indirect_dma source(%arg9 : memref<40x128xf32, #tpu.memory_space<vmem>>) target(%dma_start3A_129 : memref<10240x128xf32, #tpu.memory_space<vmem_shared>>) offsets(%dma_start3A_126 : memref<40xi32, #tpu.memory_space<vmem>>) semaphore(%run_scoped3A : memref<!tpu.dma_semaphore, #tpu.memory_space<semaphore_mem>>) {add = true}
          %dma_wait3A_130 = tpu.memref_slice %arg8[%mul3A_125] : memref<10000xi32, #tpu.memory_space<vmem>> -> memref<40xi32, #tpu.memory_space<vmem>>
          %dma_wait3A_131 = arith.constant 0 : i32
          %dma_wait3A_132 = arith.constant 0 : i32
          %dma_wait3A_133 = tpu.memref_slice %arg14[%dma_wait3A_131, %dma_wait3A_132] : memref<10240x128xf32, #tpu.memory_space<vmem_shared>> -> memref<10240x128xf32, #tpu.memory_space<vmem_shared>>
          tpu.wait_indirect_dma semaphore(%run_scoped3A : memref<!tpu.dma_semaphore, #tpu.memory_space<semaphore_mem>>) src(%arg9 : memref<40x128xf32, #tpu.memory_space<vmem>>) dst(%dma_wait3A_133 : memref<10240x128xf32, #tpu.memory_space<vmem_shared>>)
          tpu.yield
        }) : () -> ()
      } else {
      }
      %add3A_53 = arith.constant 5 : i32
      %add3A_54 = arith.addi %mul3A_38, %add3A_53 : i32
      %add3A_55 = arith.constant 0 : i32
      %add3A_56 = arith.addi %add3A_54, %add3A_55 : i32
      %lt3A_57 = arith.constant 250 : i32
      %lt3A_58 = arith.cmpi slt, %add3A_56, %lt3A_57 : i32
      %convert_element_type3A_59 = arith.extui %lt3A_58 : i1 to i32
      %cond3A_60 = arith.constant 0 : i32
      %cond3A_61 = arith.cmpi ne, %convert_element_type3A_59, %cond3A_60 : i32
      scf.if %cond3A_61 {
        %add3A_117 = arith.constant 5 : i32
        %add3A_118 = arith.addi %mul3A_38, %add3A_117 : i32
        %add3A_119 = arith.constant 0 : i32
        %add3A_120 = arith.addi %add3A_118, %add3A_119 : i32
        %mul3A_121 = arith.constant 40 : i32
        %mul3A_122 = arith.muli %add3A_120, %mul3A_121 : i32
        %dma_start3A_123 = tpu.memref_slice %arg7[%mul3A_122] : memref<10000xi32, #tpu.memory_space<vmem>> -> memref<40xi32, #tpu.memory_space<vmem>>
        %dma_start3A_124 = arith.constant 0 : i32
        %dma_start3A_125 = arith.constant 0 : i32
        %dma_start3A_126 = tpu.memref_slice %arg2[%dma_start3A_124, %dma_start3A_125] : memref<10240x128xf32, #tpu.memory_space<hbm>> -> memref<10240x128xf32, #tpu.memory_space<hbm>>
        tpu.enqueue_indirect_dma source(%dma_start3A_126 : memref<10240x128xf32, #tpu.memory_space<hbm>>) target(%arg9 : memref<40x128xf32, #tpu.memory_space<vmem>>) offsets(%dma_start3A_123 : memref<40xi32, #tpu.memory_space<vmem>>) semaphore(%arg15 : memref<!tpu.dma_semaphore, #tpu.memory_space<semaphore_mem>>)
      } else {
      }
      %add3A_62 = arith.constant 1 : i32
      %add3A_63 = arith.addi %mul3A_38, %add3A_62 : i32
      %lt3A_64 = arith.constant 250 : i32
      %lt3A_65 = arith.cmpi slt, %add3A_63, %lt3A_64 : i32
      %convert_element_type3A_66 = arith.extui %lt3A_65 : i1 to i32
      %cond3A_67 = arith.constant 0 : i32
      %cond3A_68 = arith.cmpi ne, %convert_element_type3A_66, %cond3A_67 : i32
      scf.if %cond3A_68 {
        %add3A_117 = arith.constant 1 : i32
        %add3A_118 = arith.addi %mul3A_38, %add3A_117 : i32
        %mul3A_119 = arith.constant 40 : i32
        %mul3A_120 = arith.muli %add3A_118, %mul3A_119 : i32
        %dma_wait3A = tpu.memref_slice %arg7[%mul3A_120] : memref<10000xi32, #tpu.memory_space<vmem>> -> memref<40xi32, #tpu.memory_space<vmem>>
        %dma_wait3A_121 = arith.constant 0 : i32
        %dma_wait3A_122 = arith.constant 0 : i32
        %dma_wait3A_123 = tpu.memref_slice %arg2[%dma_wait3A_121, %dma_wait3A_122] : memref<10240x128xf32, #tpu.memory_space<hbm>> -> memref<10240x128xf32, #tpu.memory_space<hbm>>
        tpu.wait_indirect_dma semaphore(%arg16 : memref<!tpu.dma_semaphore, #tpu.memory_space<semaphore_mem>>) src(%dma_wait3A_123 : memref<10240x128xf32, #tpu.memory_space<hbm>>) dst(%arg10 : memref<40x128xf32, #tpu.memory_space<vmem>>)
        %mul3A_124 = arith.constant 40 : i32
        %mul3A_125 = arith.muli %add3A_118, %mul3A_124 : i32
        "tpu.region"() ({
          %run_scoped3A = tpu.sem_alloc : memref<!tpu.dma_semaphore, #tpu.memory_space<semaphore_mem>>
          %dma_start3A_126 = tpu.memref_slice %arg8[%mul3A_125] : memref<10000xi32, #tpu.memory_space<vmem>> -> memref<40xi32, #tpu.memory_space<vmem>>
          %dma_start3A_127 = arith.constant 0 : i32
          %dma_start3A_128 = arith.constant 0 : i32
          %dma_start3A_129 = tpu.memref_slice %arg14[%dma_start3A_127, %dma_start3A_128] : memref<10240x128xf32, #tpu.memory_space<vmem_shared>> -> memref<10240x128xf32, #tpu.memory_space<vmem_shared>>
          tpu.enqueue_indirect_dma source(%arg10 : memref<40x128xf32, #tpu.memory_space<vmem>>) target(%dma_start3A_129 : memref<10240x128xf32, #tpu.memory_space<vmem_shared>>) offsets(%dma_start3A_126 : memref<40xi32, #tpu.memory_space<vmem>>) semaphore(%run_scoped3A : memref<!tpu.dma_semaphore, #tpu.memory_space<semaphore_mem>>) {add = true}
          %dma_wait3A_130 = tpu.memref_slice %arg8[%mul3A_125] : memref<10000xi32, #tpu.memory_space<vmem>> -> memref<40xi32, #tpu.memory_space<vmem>>
          %dma_wait3A_131 = arith.constant 0 : i32
          %dma_wait3A_132 = arith.constant 0 : i32
          %dma_wait3A_133 = tpu.memref_slice %arg14[%dma_wait3A_131, %dma_wait3A_132] : memref<10240x128xf32, #tpu.memory_space<vmem_shared>> -> memref<10240x128xf32, #tpu.memory_space<vmem_shared>>
          tpu.wait_indirect_dma semaphore(%run_scoped3A : memref<!tpu.dma_semaphore, #tpu.memory_space<semaphore_mem>>) src(%arg10 : memref<40x128xf32, #tpu.memory_space<vmem>>) dst(%dma_wait3A_133 : memref<10240x128xf32, #tpu.memory_space<vmem_shared>>)
          tpu.yield
        }) : () -> ()
      } else {
      }
      %add3A_69 = arith.constant 5 : i32
      %add3A_70 = arith.addi %mul3A_38, %add3A_69 : i32
      %add3A_71 = arith.constant 1 : i32
      %add3A_72 = arith.addi %add3A_70, %add3A_71 : i32
      %lt3A_73 = arith.constant 250 : i32
      %lt3A_74 = arith.cmpi slt, %add3A_72, %lt3A_73 : i32
      %convert_element_type3A_75 = arith.extui %lt3A_74 : i1 to i32
      %cond3A_76 = arith.constant 0 : i32
      %cond3A_77 = arith.cmpi ne, %convert_element_type3A_75, %cond3A_76 : i32
      scf.if %cond3A_77 {
        %add3A_117 = arith.constant 5 : i32
        %add3A_118 = arith.addi %mul3A_38, %add3A_117 : i32
        %add3A_119 = arith.constant 1 : i32
        %add3A_120 = arith.addi %add3A_118, %add3A_119 : i32
        %mul3A_121 = arith.constant 40 : i32
        %mul3A_122 = arith.muli %add3A_120, %mul3A_121 : i32
        %dma_start3A_123 = tpu.memref_slice %arg7[%mul3A_122] : memref<10000xi32, #tpu.memory_space<vmem>> -> memref<40xi32, #tpu.memory_space<vmem>>
        %dma_start3A_124 = arith.constant 0 : i32
        %dma_start3A_125 = arith.constant 0 : i32
        %dma_start3A_126 = tpu.memref_slice %arg2[%dma_start3A_124, %dma_start3A_125] : memref<10240x128xf32, #tpu.memory_space<hbm>> -> memref<10240x128xf32, #tpu.memory_space<hbm>>
        tpu.enqueue_indirect_dma source(%dma_start3A_126 : memref<10240x128xf32, #tpu.memory_space<hbm>>) target(%arg10 : memref<40x128xf32, #tpu.memory_space<vmem>>) offsets(%dma_start3A_123 : memref<40xi32, #tpu.memory_space<vmem>>) semaphore(%arg16 : memref<!tpu.dma_semaphore, #tpu.memory_space<semaphore_mem>>)
      } else {
      }
      %add3A_78 = arith.constant 2 : i32
      %add3A_79 = arith.addi %mul3A_38, %add3A_78 : i32
      %lt3A_80 = arith.constant 250 : i32
      %lt3A_81 = arith.cmpi slt, %add3A_79, %lt3A_80 : i32
      %convert_element_type3A_82 = arith.extui %lt3A_81 : i1 to i32
      %cond3A_83 = arith.constant 0 : i32
      %cond3A_84 = arith.cmpi ne, %convert_element_type3A_82, %cond3A_83 : i32
      scf.if %cond3A_84 {
        %add3A_117 = arith.constant 2 : i32
        %add3A_118 = arith.addi %mul3A_38, %add3A_117 : i32
        %mul3A_119 = arith.constant 40 : i32
        %mul3A_120 = arith.muli %add3A_118, %mul3A_119 : i32
        %dma_wait3A = tpu.memref_slice %arg7[%mul3A_120] : memref<10000xi32, #tpu.memory_space<vmem>> -> memref<40xi32, #tpu.memory_space<vmem>>
        %dma_wait3A_121 = arith.constant 0 : i32
        %dma_wait3A_122 = arith.constant 0 : i32
        %dma_wait3A_123 = tpu.memref_slice %arg2[%dma_wait3A_121, %dma_wait3A_122] : memref<10240x128xf32, #tpu.memory_space<hbm>> -> memref<10240x128xf32, #tpu.memory_space<hbm>>
        tpu.wait_indirect_dma semaphore(%arg17 : memref<!tpu.dma_semaphore, #tpu.memory_space<semaphore_mem>>) src(%dma_wait3A_123 : memref<10240x128xf32, #tpu.memory_space<hbm>>) dst(%arg11 : memref<40x128xf32, #tpu.memory_space<vmem>>)
        %mul3A_124 = arith.constant 40 : i32
        %mul3A_125 = arith.muli %add3A_118, %mul3A_124 : i32
        "tpu.region"() ({
          %run_scoped3A = tpu.sem_alloc : memref<!tpu.dma_semaphore, #tpu.memory_space<semaphore_mem>>
          %dma_start3A_126 = tpu.memref_slice %arg8[%mul3A_125] : memref<10000xi32, #tpu.memory_space<vmem>> -> memref<40xi32, #tpu.memory_space<vmem>>
          %dma_start3A_127 = arith.constant 0 : i32
          %dma_start3A_128 = arith.constant 0 : i32
          %dma_start3A_129 = tpu.memref_slice %arg14[%dma_start3A_127, %dma_start3A_128] : memref<10240x128xf32, #tpu.memory_space<vmem_shared>> -> memref<10240x128xf32, #tpu.memory_space<vmem_shared>>
          tpu.enqueue_indirect_dma source(%arg11 : memref<40x128xf32, #tpu.memory_space<vmem>>) target(%dma_start3A_129 : memref<10240x128xf32, #tpu.memory_space<vmem_shared>>) offsets(%dma_start3A_126 : memref<40xi32, #tpu.memory_space<vmem>>) semaphore(%run_scoped3A : memref<!tpu.dma_semaphore, #tpu.memory_space<semaphore_mem>>) {add = true}
          %dma_wait3A_130 = tpu.memref_slice %arg8[%mul3A_125] : memref<10000xi32, #tpu.memory_space<vmem>> -> memref<40xi32, #tpu.memory_space<vmem>>
          %dma_wait3A_131 = arith.constant 0 : i32
          %dma_wait3A_132 = arith.constant 0 : i32
          %dma_wait3A_133 = tpu.memref_slice %arg14[%dma_wait3A_131, %dma_wait3A_132] : memref<10240x128xf32, #tpu.memory_space<vmem_shared>> -> memref<10240x128xf32, #tpu.memory_space<vmem_shared>>
          tpu.wait_indirect_dma semaphore(%run_scoped3A : memref<!tpu.dma_semaphore, #tpu.memory_space<semaphore_mem>>) src(%arg11 : memref<40x128xf32, #tpu.memory_space<vmem>>) dst(%dma_wait3A_133 : memref<10240x128xf32, #tpu.memory_space<vmem_shared>>)
          tpu.yield
        }) : () -> ()
      } else {
      }
      %add3A_85 = arith.constant 5 : i32
      %add3A_86 = arith.addi %mul3A_38, %add3A_85 : i32
      %add3A_87 = arith.constant 2 : i32
      %add3A_88 = arith.addi %add3A_86, %add3A_87 : i32
      %lt3A_89 = arith.constant 250 : i32
      %lt3A_90 = arith.cmpi slt, %add3A_88, %lt3A_89 : i32
      %convert_element_type3A_91 = arith.extui %lt3A_90 : i1 to i32
      %cond3A_92 = arith.constant 0 : i32
      %cond3A_93 = arith.cmpi ne, %convert_element_type3A_91, %cond3A_92 : i32
      scf.if %cond3A_93 {
        %add3A_117 = arith.constant 5 : i32
        %add3A_118 = arith.addi %mul3A_38, %add3A_117 : i32
        %add3A_119 = arith.constant 2 : i32
        %add3A_120 = arith.addi %add3A_118, %add3A_119 : i32
        %mul3A_121 = arith.constant 40 : i32
        %mul3A_122 = arith.muli %add3A_120, %mul3A_121 : i32
        %dma_start3A_123 = tpu.memref_slice %arg7[%mul3A_122] : memref<10000xi32, #tpu.memory_space<vmem>> -> memref<40xi32, #tpu.memory_space<vmem>>
        %dma_start3A_124 = arith.constant 0 : i32
        %dma_start3A_125 = arith.constant 0 : i32
        %dma_start3A_126 = tpu.memref_slice %arg2[%dma_start3A_124, %dma_start3A_125] : memref<10240x128xf32, #tpu.memory_space<hbm>> -> memref<10240x128xf32, #tpu.memory_space<hbm>>
        tpu.enqueue_indirect_dma source(%dma_start3A_126 : memref<10240x128xf32, #tpu.memory_space<hbm>>) target(%arg11 : memref<40x128xf32, #tpu.memory_space<vmem>>) offsets(%dma_start3A_123 : memref<40xi32, #tpu.memory_space<vmem>>) semaphore(%arg17 : memref<!tpu.dma_semaphore, #tpu.memory_space<semaphore_mem>>)
      } else {
      }
      %add3A_94 = arith.constant 3 : i32
      %add3A_95 = arith.addi %mul3A_38, %add3A_94 : i32
      %lt3A_96 = arith.constant 250 : i32
      %lt3A_97 = arith.cmpi slt, %add3A_95, %lt3A_96 : i32
      %convert_element_type3A_98 = arith.extui %lt3A_97 : i1 to i32
      %cond3A_99 = arith.constant 0 : i32
      %cond3A_100 = arith.cmpi ne, %convert_element_type3A_98, %cond3A_99 : i32
      scf.if %cond3A_100 {
        %add3A_117 = arith.constant 3 : i32
        %add3A_118 = arith.addi %mul3A_38, %add3A_117 : i32
        %mul3A_119 = arith.constant 40 : i32
        %mul3A_120 = arith.muli %add3A_118, %mul3A_119 : i32
        %dma_wait3A = tpu.memref_slice %arg7[%mul3A_120] : memref<10000xi32, #tpu.memory_space<vmem>> -> memref<40xi32, #tpu.memory_space<vmem>>
        %dma_wait3A_121 = arith.constant 0 : i32
        %dma_wait3A_122 = arith.constant 0 : i32
        %dma_wait3A_123 = tpu.memref_slice %arg2[%dma_wait3A_121, %dma_wait3A_122] : memref<10240x128xf32, #tpu.memory_space<hbm>> -> memref<10240x128xf32, #tpu.memory_space<hbm>>
        tpu.wait_indirect_dma semaphore(%arg18 : memref<!tpu.dma_semaphore, #tpu.memory_space<semaphore_mem>>) src(%dma_wait3A_123 : memref<10240x128xf32, #tpu.memory_space<hbm>>) dst(%arg12 : memref<40x128xf32, #tpu.memory_space<vmem>>)
        %mul3A_124 = arith.constant 40 : i32
        %mul3A_125 = arith.muli %add3A_118, %mul3A_124 : i32
        "tpu.region"() ({
          %run_scoped3A = tpu.sem_alloc : memref<!tpu.dma_semaphore, #tpu.memory_space<semaphore_mem>>
          %dma_start3A_126 = tpu.memref_slice %arg8[%mul3A_125] : memref<10000xi32, #tpu.memory_space<vmem>> -> memref<40xi32, #tpu.memory_space<vmem>>
          %dma_start3A_127 = arith.constant 0 : i32
          %dma_start3A_128 = arith.constant 0 : i32
          %dma_start3A_129 = tpu.memref_slice %arg14[%dma_start3A_127, %dma_start3A_128] : memref<10240x128xf32, #tpu.memory_space<vmem_shared>> -> memref<10240x128xf32, #tpu.memory_space<vmem_shared>>
          tpu.enqueue_indirect_dma source(%arg12 : memref<40x128xf32, #tpu.memory_space<vmem>>) target(%dma_start3A_129 : memref<10240x128xf32, #tpu.memory_space<vmem_shared>>) offsets(%dma_start3A_126 : memref<40xi32, #tpu.memory_space<vmem>>) semaphore(%run_scoped3A : memref<!tpu.dma_semaphore, #tpu.memory_space<semaphore_mem>>) {add = true}
          %dma_wait3A_130 = tpu.memref_slice %arg8[%mul3A_125] : memref<10000xi32, #tpu.memory_space<vmem>> -> memref<40xi32, #tpu.memory_space<vmem>>
          %dma_wait3A_131 = arith.constant 0 : i32
          %dma_wait3A_132 = arith.constant 0 : i32
          %dma_wait3A_133 = tpu.memref_slice %arg14[%dma_wait3A_131, %dma_wait3A_132] : memref<10240x128xf32, #tpu.memory_space<vmem_shared>> -> memref<10240x128xf32, #tpu.memory_space<vmem_shared>>
          tpu.wait_indirect_dma semaphore(%run_scoped3A : memref<!tpu.dma_semaphore, #tpu.memory_space<semaphore_mem>>) src(%arg12 : memref<40x128xf32, #tpu.memory_space<vmem>>) dst(%dma_wait3A_133 : memref<10240x128xf32, #tpu.memory_space<vmem_shared>>)
          tpu.yield
        }) : () -> ()
      } else {
      }
      %add3A_101 = arith.constant 5 : i32
      %add3A_102 = arith.addi %mul3A_38, %add3A_101 : i32
      %add3A_103 = arith.constant 3 : i32
      %add3A_104 = arith.addi %add3A_102, %add3A_103 : i32
      %lt3A_105 = arith.constant 250 : i32
      %lt3A_106 = arith.cmpi slt, %add3A_104, %lt3A_105 : i32
      %convert_element_type3A_107 = arith.extui %lt3A_106 : i1 to i32
      %cond3A_108 = arith.constant 0 : i32
      %cond3A_109 = arith.cmpi ne, %convert_element_type3A_107, %cond3A_108 : i32
      scf.if %cond3A_109 {
        %add3A_117 = arith.constant 5 : i32
        %add3A_118 = arith.addi %mul3A_38, %add3A_117 : i32
        %add3A_119 = arith.constant 3 : i32
        %add3A_120 = arith.addi %add3A_118, %add3A_119 : i32
        %mul3A_121 = arith.constant 40 : i32
        %mul3A_122 = arith.muli %add3A_120, %mul3A_121 : i32
        %dma_start3A_123 = tpu.memref_slice %arg7[%mul3A_122] : memref<10000xi32, #tpu.memory_space<vmem>> -> memref<40xi32, #tpu.memory_space<vmem>>
        %dma_start3A_124 = arith.constant 0 : i32
        %dma_start3A_125 = arith.constant 0 : i32
        %dma_start3A_126 = tpu.memref_slice %arg2[%dma_start3A_124, %dma_start3A_125] : memref<10240x128xf32, #tpu.memory_space<hbm>> -> memref<10240x128xf32, #tpu.memory_space<hbm>>
        tpu.enqueue_indirect_dma source(%dma_start3A_126 : memref<10240x128xf32, #tpu.memory_space<hbm>>) target(%arg12 : memref<40x128xf32, #tpu.memory_space<vmem>>) offsets(%dma_start3A_123 : memref<40xi32, #tpu.memory_space<vmem>>) semaphore(%arg18 : memref<!tpu.dma_semaphore, #tpu.memory_space<semaphore_mem>>)
      } else {
      }
      %add3A_110 = arith.constant 4 : i32
      %add3A_111 = arith.addi %mul3A_38, %add3A_110 : i32
      %lt3A_112 = arith.constant 250 : i32
      %lt3A_113 = arith.cmpi slt, %add3A_111, %lt3A_112 : i32
      %convert_element_type3A_114 = arith.extui %lt3A_113 : i1 to i32
      %cond3A_115 = arith.constant 0 : i32
      %cond3A_116 = arith.cmpi ne, %convert_element_type3A_114, %cond3A_115 : i32
      scf.if %cond3A_116 {
        %add3A_117 = arith.constant 4 : i32
        %add3A_118 = arith.addi %mul3A_38, %add3A_117 : i32
        %mul3A_119 = arith.constant 40 : i32
        %mul3A_120 = arith.muli %add3A_118, %mul3A_119 : i32
        %dma_wait3A = tpu.memref_slice %arg7[%mul3A_120] : memref<10000xi32, #tpu.memory_space<vmem>> -> memref<40xi32, #tpu.memory_space<vmem>>
        %dma_wait3A_121 = arith.constant 0 : i32
        %dma_wait3A_122 = arith.constant 0 : i32
        %dma_wait3A_123 = tpu.memref_slice %arg2[%dma_wait3A_121, %dma_wait3A_122] : memref<10240x128xf32, #tpu.memory_space<hbm>> -> memref<10240x128xf32, #tpu.memory_space<hbm>>
        tpu.wait_indirect_dma semaphore(%arg19 : memref<!tpu.dma_semaphore, #tpu.memory_space<semaphore_mem>>) src(%dma_wait3A_123 : memref<10240x128xf32, #tpu.memory_space<hbm>>) dst(%arg13 : memref<40x128xf32, #tpu.memory_space<vmem>>)
        %mul3A_124 = arith.constant 40 : i32
        %mul3A_125 = arith.muli %add3A_118, %mul3A_124 : i32
        "tpu.region"() ({
          %run_scoped3A = tpu.sem_alloc : memref<!tpu.dma_semaphore, #tpu.memory_space<semaphore_mem>>
          %dma_start3A_126 = tpu.memref_slice %arg8[%mul3A_125] : memref<10000xi32, #tpu.memory_space<vmem>> -> memref<40xi32, #tpu.memory_space<vmem>>
          %dma_start3A_127 = arith.constant 0 : i32
          %dma_start3A_128 = arith.constant 0 : i32
          %dma_start3A_129 = tpu.memref_slice %arg14[%dma_start3A_127, %dma_start3A_128] : memref<10240x128xf32, #tpu.memory_space<vmem_shared>> -> memref<10240x128xf32, #tpu.memory_space<vmem_shared>>
          tpu.enqueue_indirect_dma source(%arg13 : memref<40x128xf32, #tpu.memory_space<vmem>>) target(%dma_start3A_129 : memref<10240x128xf32, #tpu.memory_space<vmem_shared>>) offsets(%dma_start3A_126 : memref<40xi32, #tpu.memory_space<vmem>>) semaphore(%run_scoped3A : memref<!tpu.dma_semaphore, #tpu.memory_space<semaphore_mem>>) {add = true}
          %dma_wait3A_130 = tpu.memref_slice %arg8[%mul3A_125] : memref<10000xi32, #tpu.memory_space<vmem>> -> memref<40xi32, #tpu.memory_space<vmem>>
          %dma_wait3A_131 = arith.constant 0 : i32
          %dma_wait3A_132 = arith.constant 0 : i32
          %dma_wait3A_133 = tpu.memref_slice %arg14[%dma_wait3A_131, %dma_wait3A_132] : memref<10240x128xf32, #tpu.memory_space<vmem_shared>> -> memref<10240x128xf32, #tpu.memory_space<vmem_shared>>
          tpu.wait_indirect_dma semaphore(%run_scoped3A : memref<!tpu.dma_semaphore, #tpu.memory_space<semaphore_mem>>) src(%arg13 : memref<40x128xf32, #tpu.memory_space<vmem>>) dst(%dma_wait3A_133 : memref<10240x128xf32, #tpu.memory_space<vmem_shared>>)
          tpu.yield
        }) : () -> ()
      } else {
      }
    }
    %scan3A_30 = arith.constant 50 : i32
    %barrier3A_31 = arith.constant 0 : index
    tpu.barrier barrier_id(%barrier3A_31)
    %mul3A_32 = arith.constant 640 : i32
    %mul3A_33 = arith.muli %arg1, %mul3A_32 : i32
    %mul3A_34 = arith.constant 640 : i32
    %mul3A_35 = arith.muli %arg1, %mul3A_34 : i32
    "tpu.region"() ({
      %run_scoped3A = tpu.sem_alloc : memref<!tpu.dma_semaphore, #tpu.memory_space<semaphore_mem>>
      %dma_start3A_36 = arith.constant 0 : i32
      %dma_start3A_37 = tpu.memref_slice %arg6[%arg0, %mul3A_35, %dma_start3A_36] : memref<2x10240x128xf32, #tpu.memory_space<hbm>> -> memref<1x640x128xf32, #tpu.memory_space<hbm>>
      %dma_start3A_38 = tpu.memref_squeeze %dma_start3A_37 : memref<1x640x128xf32, #tpu.memory_space<hbm>> -> memref<640x128xf32, #tpu.memory_space<hbm>>
      %dma_start3A_39 = arith.constant 0 : i32
      %dma_start3A_40 = tpu.memref_slice %arg14[%mul3A_33, %dma_start3A_39] : memref<10240x128xf32, #tpu.memory_space<vmem_shared>> -> memref<640x128xf32, #tpu.memory_space<vmem_shared>>
      tpu.enqueue_dma source(%dma_start3A_40 : memref<640x128xf32, #tpu.memory_space<vmem_shared>>) target(%dma_start3A_38 : memref<640x128xf32, #tpu.memory_space<hbm>>) target_semaphore(%run_scoped3A : memref<!tpu.dma_semaphore, #tpu.memory_space<semaphore_mem>>)
      %dma_wait3A = arith.constant 0 : i32
      %dma_wait3A_41 = tpu.memref_slice %arg6[%arg0, %mul3A_35, %dma_wait3A] : memref<2x10240x128xf32, #tpu.memory_space<hbm>> -> memref<1x640x128xf32, #tpu.memory_space<hbm>>
      %dma_wait3A_42 = tpu.memref_squeeze %dma_wait3A_41 : memref<1x640x128xf32, #tpu.memory_space<hbm>> -> memref<640x128xf32, #tpu.memory_space<hbm>>
      %dma_wait3A_43 = arith.constant 0 : i32
      %dma_wait3A_44 = tpu.memref_slice %arg14[%mul3A_33, %dma_wait3A_43] : memref<10240x128xf32, #tpu.memory_space<vmem_shared>> -> memref<640x128xf32, #tpu.memory_space<vmem_shared>>
      tpu.wait_dma2 semaphore(%run_scoped3A : memref<!tpu.dma_semaphore, #tpu.memory_space<semaphore_mem>>) src(%dma_wait3A_44 : memref<640x128xf32, #tpu.memory_space<vmem_shared>>) dst(%dma_wait3A_42 : memref<640x128xf32, #tpu.memory_space<hbm>>)
      tpu.yield
    }) : () -> ()
    return
  }
}

#map = affine_map<(d0, d1) -> (0, 0)>
#map1 = affine_map<(d0, d1) -> (0, 0, 0)>
module attributes {stable_mosaic.version = 14 : i64} {
  func.func @_sc_agg(%arg0: i32, %arg1: i32, %arg2: memref<10240x128xf32, #tpu.memory_space<hbm>>, %arg3: memref<32x10000xi32, #tpu.memory_space<hbm>>, %arg4: memref<32x10000xi32, #tpu.memory_space<hbm>>, %arg5: memref<640x128xf32, #tpu.memory_space<hbm>>, %arg6: memref<2x10240x128xf32, #tpu.memory_space<hbm>>, %arg7: memref<10000xi32, #tpu.memory_space<vmem>>, %arg8: memref<10000xi32, #tpu.memory_space<vmem>>, %arg9: memref<40x128xf32, #tpu.memory_space<vmem>>, %arg10: memref<40x128xf32, #tpu.memory_space<vmem>>, %arg11: memref<40x128xf32, #tpu.memory_space<vmem>>, %arg12: memref<40x128xf32, #tpu.memory_space<vmem>>, %arg13: memref<40x128xf32, #tpu.memory_space<vmem>>, %arg14: memref<10240x128xf32, #tpu.memory_space<vmem_shared>>, %arg15: memref<!tpu.dma_semaphore, #tpu.memory_space<semaphore_mem>>, %arg16: memref<!tpu.dma_semaphore, #tpu.memory_space<semaphore_mem>>, %arg17: memref<!tpu.dma_semaphore, #tpu.memory_space<semaphore_mem>>, %arg18: memref<!tpu.dma_semaphore, #tpu.memory_space<semaphore_mem>>, %arg19: memref<!tpu.dma_semaphore, #tpu.memory_space<semaphore_mem>>) attributes {dimension_semantics = [#tpu.dimension_semantics<core_parallel>, #tpu.dimension_semantics<subcore_parallel>], iteration_bounds = array<i64: 2, 16>, scalar_prefetch = 0 : i64, scratch_operands = 13 : i64, tpu.core_type = #tpu.core_type<sc_vector_subcore>, window_params = [{transform_indices = #map}, {transform_indices = #map}, {transform_indices = #map}, {transform_indices = #map}, {transform_indices = #map1}]} {
    %mul3A = arith.constant 16 : i32
    %mul3A_0 = arith.muli %arg0, %mul3A : i32
    %add3A = arith.addi %mul3A_0, %arg1 : i32
    %eq3A = arith.constant 0 : i32
    %eq3A_1 = arith.cmpi eq, %arg0, %eq3A : i32
    %convert_element_type3A = arith.extui %eq3A_1 : i1 to i32
    %cond3A = arith.constant 0 : i32
    %cond3A_2 = arith.cmpi ne, %convert_element_type3A, %cond3A : i32
    scf.if %cond3A_2 {
      %mul3A_36 = arith.constant 640 : i32
      %mul3A_37 = arith.muli %arg1, %mul3A_36 : i32
      %mul3A_38 = arith.constant 640 : i32
      %mul3A_39 = arith.muli %arg1, %mul3A_38 : i32
      "tpu.region"() ({
        %run_scoped3A = tpu.sem_alloc : memref<!tpu.dma_semaphore, #tpu.memory_space<semaphore_mem>>
        %dma_start3A_40 = arith.constant 0 : i32
        %dma_start3A_41 = tpu.memref_slice %arg14[%mul3A_39, %dma_start3A_40] : memref<10240x128xf32, #tpu.memory_space<vmem_shared>> -> memref<640x128xf32, #tpu.memory_space<vmem_shared>>
        %dma_start3A_42 = arith.constant 0 : i32
        %dma_start3A_43 = tpu.memref_slice %arg2[%mul3A_37, %dma_start3A_42] : memref<10240x128xf32, #tpu.memory_space<hbm>> -> memref<640x128xf32, #tpu.memory_space<hbm>>
        tpu.enqueue_dma source(%dma_start3A_43 : memref<640x128xf32, #tpu.memory_space<hbm>>) target(%dma_start3A_41 : memref<640x128xf32, #tpu.memory_space<vmem_shared>>) target_semaphore(%run_scoped3A : memref<!tpu.dma_semaphore, #tpu.memory_space<semaphore_mem>>)
        %dma_wait3A = arith.constant 0 : i32
        %dma_wait3A_44 = tpu.memref_slice %arg14[%mul3A_39, %dma_wait3A] : memref<10240x128xf32, #tpu.memory_space<vmem_shared>> -> memref<640x128xf32, #tpu.memory_space<vmem_shared>>
        %dma_wait3A_45 = arith.constant 0 : i32
        %dma_wait3A_46 = tpu.memref_slice %arg2[%mul3A_37, %dma_wait3A_45] : memref<10240x128xf32, #tpu.memory_space<hbm>> -> memref<640x128xf32, #tpu.memory_space<hbm>>
        tpu.wait_dma2 semaphore(%run_scoped3A : memref<!tpu.dma_semaphore, #tpu.memory_space<semaphore_mem>>) src(%dma_wait3A_46 : memref<640x128xf32, #tpu.memory_space<hbm>>) dst(%dma_wait3A_44 : memref<640x128xf32, #tpu.memory_space<vmem_shared>>)
        tpu.yield
      }) : () -> ()
    } else {
    }
    %ne3A = arith.constant 0 : i32
    %ne3A_3 = arith.cmpi ne, %arg0, %ne3A : i32
    %convert_element_type3A_4 = arith.extui %ne3A_3 : i1 to i32
    %cond3A_5 = arith.constant 0 : i32
    %cond3A_6 = arith.cmpi ne, %convert_element_type3A_4, %cond3A_5 : i32
    scf.if %cond3A_6 {
      %mul3A_36 = arith.constant 640 : i32
      %mul3A_37 = arith.muli %arg1, %mul3A_36 : i32
      "tpu.region"() ({
        %run_scoped3A = tpu.sem_alloc : memref<!tpu.dma_semaphore, #tpu.memory_space<semaphore_mem>>
        %dma_start3A_38 = arith.constant 0 : i32
        %dma_start3A_39 = tpu.memref_slice %arg14[%mul3A_37, %dma_start3A_38] : memref<10240x128xf32, #tpu.memory_space<vmem_shared>> -> memref<640x128xf32, #tpu.memory_space<vmem_shared>>
        tpu.enqueue_dma source(%arg5 : memref<640x128xf32, #tpu.memory_space<hbm>>) target(%dma_start3A_39 : memref<640x128xf32, #tpu.memory_space<vmem_shared>>) target_semaphore(%run_scoped3A : memref<!tpu.dma_semaphore, #tpu.memory_space<semaphore_mem>>)
        %dma_wait3A = arith.constant 0 : i32
        %dma_wait3A_40 = tpu.memref_slice %arg14[%mul3A_37, %dma_wait3A] : memref<10240x128xf32, #tpu.memory_space<vmem_shared>> -> memref<640x128xf32, #tpu.memory_space<vmem_shared>>
        tpu.wait_dma2 semaphore(%run_scoped3A : memref<!tpu.dma_semaphore, #tpu.memory_space<semaphore_mem>>) src(%arg5 : memref<640x128xf32, #tpu.memory_space<hbm>>) dst(%dma_wait3A_40 : memref<640x128xf32, #tpu.memory_space<vmem_shared>>)
        tpu.yield
      }) : () -> ()
    } else {
    }
    "tpu.region"() ({
      %run_scoped3A = tpu.sem_alloc : memref<!tpu.dma_semaphore, #tpu.memory_space<semaphore_mem>>
      %dma_start3A_36 = arith.constant 0 : i32
      %dma_start3A_37 = tpu.memref_slice %arg3[%add3A, %dma_start3A_36] : memref<32x10000xi32, #tpu.memory_space<hbm>> -> memref<1x10000xi32, #tpu.memory_space<hbm>>
      %dma_start3A_38 = tpu.memref_squeeze %dma_start3A_37 : memref<1x10000xi32, #tpu.memory_space<hbm>> -> memref<10000xi32, #tpu.memory_space<hbm>>
      %dma_start3A_39 = arith.constant 0 : i32
      %dma_start3A_40 = tpu.memref_slice %arg3[%add3A, %dma_start3A_39] : memref<32x10000xi32, #tpu.memory_space<hbm>> -> memref<1x10000xi32, #tpu.memory_space<hbm>>
      %dma_start3A_41 = tpu.memref_squeeze %dma_start3A_40 : memref<1x10000xi32, #tpu.memory_space<hbm>> -> memref<10000xi32, #tpu.memory_space<hbm>>
      tpu.enqueue_dma source(%dma_start3A_41 : memref<10000xi32, #tpu.memory_space<hbm>>) target(%arg7 : memref<10000xi32, #tpu.memory_space<vmem>>) target_semaphore(%run_scoped3A : memref<!tpu.dma_semaphore, #tpu.memory_space<semaphore_mem>>)
      %dma_wait3A = arith.constant 0 : i32
      %dma_wait3A_42 = tpu.memref_slice %arg3[%add3A, %dma_wait3A] : memref<32x10000xi32, #tpu.memory_space<hbm>> -> memref<1x10000xi32, #tpu.memory_space<hbm>>
      %dma_wait3A_43 = tpu.memref_squeeze %dma_wait3A_42 : memref<1x10000xi32, #tpu.memory_space<hbm>> -> memref<10000xi32, #tpu.memory_space<hbm>>
      %dma_wait3A_44 = arith.constant 0 : i32
      %dma_wait3A_45 = tpu.memref_slice %arg3[%add3A, %dma_wait3A_44] : memref<32x10000xi32, #tpu.memory_space<hbm>> -> memref<1x10000xi32, #tpu.memory_space<hbm>>
      %dma_wait3A_46 = tpu.memref_squeeze %dma_wait3A_45 : memref<1x10000xi32, #tpu.memory_space<hbm>> -> memref<10000xi32, #tpu.memory_space<hbm>>
      tpu.wait_dma2 semaphore(%run_scoped3A : memref<!tpu.dma_semaphore, #tpu.memory_space<semaphore_mem>>) src(%dma_wait3A_46 : memref<10000xi32, #tpu.memory_space<hbm>>) dst(%arg7 : memref<10000xi32, #tpu.memory_space<vmem>>)
      tpu.yield
    }) : () -> ()
    "tpu.region"() ({
      %run_scoped3A = tpu.sem_alloc : memref<!tpu.dma_semaphore, #tpu.memory_space<semaphore_mem>>
      %dma_start3A_36 = arith.constant 0 : i32
      %dma_start3A_37 = tpu.memref_slice %arg4[%add3A, %dma_start3A_36] : memref<32x10000xi32, #tpu.memory_space<hbm>> -> memref<1x10000xi32, #tpu.memory_space<hbm>>
      %dma_start3A_38 = tpu.memref_squeeze %dma_start3A_37 : memref<1x10000xi32, #tpu.memory_space<hbm>> -> memref<10000xi32, #tpu.memory_space<hbm>>
      %dma_start3A_39 = arith.constant 0 : i32
      %dma_start3A_40 = tpu.memref_slice %arg4[%add3A, %dma_start3A_39] : memref<32x10000xi32, #tpu.memory_space<hbm>> -> memref<1x10000xi32, #tpu.memory_space<hbm>>
      %dma_start3A_41 = tpu.memref_squeeze %dma_start3A_40 : memref<1x10000xi32, #tpu.memory_space<hbm>> -> memref<10000xi32, #tpu.memory_space<hbm>>
      tpu.enqueue_dma source(%dma_start3A_41 : memref<10000xi32, #tpu.memory_space<hbm>>) target(%arg8 : memref<10000xi32, #tpu.memory_space<vmem>>) target_semaphore(%run_scoped3A : memref<!tpu.dma_semaphore, #tpu.memory_space<semaphore_mem>>)
      %dma_wait3A = arith.constant 0 : i32
      %dma_wait3A_42 = tpu.memref_slice %arg4[%add3A, %dma_wait3A] : memref<32x10000xi32, #tpu.memory_space<hbm>> -> memref<1x10000xi32, #tpu.memory_space<hbm>>
      %dma_wait3A_43 = tpu.memref_squeeze %dma_wait3A_42 : memref<1x10000xi32, #tpu.memory_space<hbm>> -> memref<10000xi32, #tpu.memory_space<hbm>>
      %dma_wait3A_44 = arith.constant 0 : i32
      %dma_wait3A_45 = tpu.memref_slice %arg4[%add3A, %dma_wait3A_44] : memref<32x10000xi32, #tpu.memory_space<hbm>> -> memref<1x10000xi32, #tpu.memory_space<hbm>>
      %dma_wait3A_46 = tpu.memref_squeeze %dma_wait3A_45 : memref<1x10000xi32, #tpu.memory_space<hbm>> -> memref<10000xi32, #tpu.memory_space<hbm>>
      tpu.wait_dma2 semaphore(%run_scoped3A : memref<!tpu.dma_semaphore, #tpu.memory_space<semaphore_mem>>) src(%dma_wait3A_46 : memref<10000xi32, #tpu.memory_space<hbm>>) dst(%arg8 : memref<10000xi32, #tpu.memory_space<vmem>>)
      tpu.yield
    }) : () -> ()
    %barrier3A = arith.constant 0 : index
    tpu.barrier barrier_id(%barrier3A)
    %dma_start3A = arith.constant 0 : i32
    %dma_start3A_7 = tpu.memref_slice %arg7[%dma_start3A] : memref<10000xi32, #tpu.memory_space<vmem>> -> memref<40xi32, #tpu.memory_space<vmem>>
    %dma_start3A_8 = arith.constant 0 : i32
    %dma_start3A_9 = arith.constant 0 : i32
    %dma_start3A_10 = tpu.memref_slice %arg2[%dma_start3A_8, %dma_start3A_9] : memref<10240x128xf32, #tpu.memory_space<hbm>> -> memref<10240x128xf32, #tpu.memory_space<hbm>>
    tpu.enqueue_indirect_dma source(%dma_start3A_10 : memref<10240x128xf32, #tpu.memory_space<hbm>>) target(%arg9 : memref<40x128xf32, #tpu.memory_space<vmem>>) offsets(%dma_start3A_7 : memref<40xi32, #tpu.memory_space<vmem>>) semaphore(%arg15 : memref<!tpu.dma_semaphore, #tpu.memory_space<semaphore_mem>>)
    %dma_start3A_11 = arith.constant 40 : i32
    %dma_start3A_12 = tpu.memref_slice %arg7[%dma_start3A_11] : memref<10000xi32, #tpu.memory_space<vmem>> -> memref<40xi32, #tpu.memory_space<vmem>>
    %dma_start3A_13 = arith.constant 0 : i32
    %dma_start3A_14 = arith.constant 0 : i32
    %dma_start3A_15 = tpu.memref_slice %arg2[%dma_start3A_13, %dma_start3A_14] : memref<10240x128xf32, #tpu.memory_space<hbm>> -> memref<10240x128xf32, #tpu.memory_space<hbm>>
    tpu.enqueue_indirect_dma source(%dma_start3A_15 : memref<10240x128xf32, #tpu.memory_space<hbm>>) target(%arg10 : memref<40x128xf32, #tpu.memory_space<vmem>>) offsets(%dma_start3A_12 : memref<40xi32, #tpu.memory_space<vmem>>) semaphore(%arg16 : memref<!tpu.dma_semaphore, #tpu.memory_space<semaphore_mem>>)
    %dma_start3A_16 = arith.constant 80 : i32
    %dma_start3A_17 = tpu.memref_slice %arg7[%dma_start3A_16] : memref<10000xi32, #tpu.memory_space<vmem>> -> memref<40xi32, #tpu.memory_space<vmem>>
    %dma_start3A_18 = arith.constant 0 : i32
    %dma_start3A_19 = arith.constant 0 : i32
    %dma_start3A_20 = tpu.memref_slice %arg2[%dma_start3A_18, %dma_start3A_19] : memref<10240x128xf32, #tpu.memory_space<hbm>> -> memref<10240x128xf32, #tpu.memory_space<hbm>>
    tpu.enqueue_indirect_dma source(%dma_start3A_20 : memref<10240x128xf32, #tpu.memory_space<hbm>>) target(%arg11 : memref<40x128xf32, #tpu.memory_space<vmem>>) offsets(%dma_start3A_17 : memref<40xi32, #tpu.memory_space<vmem>>) semaphore(%arg17 : memref<!tpu.dma_semaphore, #tpu.memory_space<semaphore_mem>>)
    %dma_start3A_21 = arith.constant 120 : i32
    %dma_start3A_22 = tpu.memref_slice %arg7[%dma_start3A_21] : memref<10000xi32, #tpu.memory_space<vmem>> -> memref<40xi32, #tpu.memory_space<vmem>>
    %dma_start3A_23 = arith.constant 0 : i32
    %dma_start3A_24 = arith.constant 0 : i32
    %dma_start3A_25 = tpu.memref_slice %arg2[%dma_start3A_23, %dma_start3A_24] : memref<10240x128xf32, #tpu.memory_space<hbm>> -> memref<10240x128xf32, #tpu.memory_space<hbm>>
    tpu.enqueue_indirect_dma source(%dma_start3A_25 : memref<10240x128xf32, #tpu.memory_space<hbm>>) target(%arg12 : memref<40x128xf32, #tpu.memory_space<vmem>>) offsets(%dma_start3A_22 : memref<40xi32, #tpu.memory_space<vmem>>) semaphore(%arg18 : memref<!tpu.dma_semaphore, #tpu.memory_space<semaphore_mem>>)
    %scan3A = arith.constant 0 : i32
    %scan3A_26 = arith.constant 0 : i32
    %scan3A_27 = arith.constant 50 : i32
    %scan3A_28 = arith.addi %scan3A_26, %scan3A_27 : i32
    %scan3A_29 = arith.constant 1 : i32
    scf.for %scan3A_36 = %scan3A_26 to %scan3A_28 step %scan3A_29  : i32 {
      %mul3A_37 = arith.constant 5 : i32
      %mul3A_38 = arith.muli %mul3A_37, %scan3A_36 : i32
      %add3A_39 = arith.constant 5 : i32
      %add3A_40 = arith.addi %mul3A_38, %add3A_39 : i32
      %sub3A = arith.constant 1 : i32
      %sub3A_41 = arith.subi %add3A_40, %sub3A : i32
      %lt3A = arith.constant 250 : i32
      %lt3A_42 = arith.cmpi slt, %sub3A_41, %lt3A : i32
      %convert_element_type3A_43 = arith.extui %lt3A_42 : i1 to i32
      %cond3A_44 = arith.constant 0 : i32
      %cond3A_45 = arith.cmpi ne, %convert_element_type3A_43, %cond3A_44 : i32
      scf.if %cond3A_45 {
        %add3A_117 = arith.constant 5 : i32
        %add3A_118 = arith.addi %mul3A_38, %add3A_117 : i32
        %sub3A_119 = arith.constant 1 : i32
        %sub3A_120 = arith.subi %add3A_118, %sub3A_119 : i32
        %mul3A_121 = arith.constant 40 : i32
        %mul3A_122 = arith.muli %sub3A_120, %mul3A_121 : i32
        %dma_start3A_123 = tpu.memref_slice %arg7[%mul3A_122] : memref<10000xi32, #tpu.memory_space<vmem>> -> memref<40xi32, #tpu.memory_space<vmem>>
        %dma_start3A_124 = arith.constant 0 : i32
        %dma_start3A_125 = arith.constant 0 : i32
        %dma_start3A_126 = tpu.memref_slice %arg2[%dma_start3A_124, %dma_start3A_125] : memref<10240x128xf32, #tpu.memory_space<hbm>> -> memref<10240x128xf32, #tpu.memory_space<hbm>>
        tpu.enqueue_indirect_dma source(%dma_start3A_126 : memref<10240x128xf32, #tpu.memory_space<hbm>>) target(%arg13 : memref<40x128xf32, #tpu.memory_space<vmem>>) offsets(%dma_start3A_123 : memref<40xi32, #tpu.memory_space<vmem>>) semaphore(%arg19 : memref<!tpu.dma_semaphore, #tpu.memory_space<semaphore_mem>>)
      } else {
      }
      %add3A_46 = arith.constant 0 : i32
      %add3A_47 = arith.addi %mul3A_38, %add3A_46 : i32
      %lt3A_48 = arith.constant 250 : i32
      %lt3A_49 = arith.cmpi slt, %add3A_47, %lt3A_48 : i32
      %convert_element_type3A_50 = arith.extui %lt3A_49 : i1 to i32
      %cond3A_51 = arith.constant 0 : i32
      %cond3A_52 = arith.cmpi ne, %convert_element_type3A_50, %cond3A_51 : i32
      scf.if %cond3A_52 {
        %add3A_117 = arith.constant 0 : i32
        %add3A_118 = arith.addi %mul3A_38, %add3A_117 : i32
        %mul3A_119 = arith.constant 40 : i32
        %mul3A_120 = arith.muli %add3A_118, %mul3A_119 : i32
        %dma_wait3A = tpu.memref_slice %arg7[%mul3A_120] : memref<10000xi32, #tpu.memory_space<vmem>> -> memref<40xi32, #tpu.memory_space<vmem>>
        %dma_wait3A_121 = arith.constant 0 : i32
        %dma_wait3A_122 = arith.constant 0 : i32
        %dma_wait3A_123 = tpu.memref_slice %arg2[%dma_wait3A_121, %dma_wait3A_122] : memref<10240x128xf32, #tpu.memory_space<hbm>> -> memref<10240x128xf32, #tpu.memory_space<hbm>>
        tpu.wait_indirect_dma semaphore(%arg15 : memref<!tpu.dma_semaphore, #tpu.memory_space<semaphore_mem>>) src(%dma_wait3A_123 : memref<10240x128xf32, #tpu.memory_space<hbm>>) dst(%arg9 : memref<40x128xf32, #tpu.memory_space<vmem>>)
        %mul3A_124 = arith.constant 40 : i32
        %mul3A_125 = arith.muli %add3A_118, %mul3A_124 : i32
        "tpu.region"() ({
          %run_scoped3A = tpu.sem_alloc : memref<!tpu.dma_semaphore, #tpu.memory_space<semaphore_mem>>
          %dma_start3A_126 = tpu.memref_slice %arg8[%mul3A_125] : memref<10000xi32, #tpu.memory_space<vmem>> -> memref<40xi32, #tpu.memory_space<vmem>>
          %dma_start3A_127 = arith.constant 0 : i32
          %dma_start3A_128 = arith.constant 0 : i32
          %dma_start3A_129 = tpu.memref_slice %arg14[%dma_start3A_127, %dma_start3A_128] : memref<10240x128xf32, #tpu.memory_space<vmem_shared>> -> memref<10240x128xf32, #tpu.memory_space<vmem_shared>>
          tpu.enqueue_indirect_dma source(%arg9 : memref<40x128xf32, #tpu.memory_space<vmem>>) target(%dma_start3A_129 : memref<10240x128xf32, #tpu.memory_space<vmem_shared>>) offsets(%dma_start3A_126 : memref<40xi32, #tpu.memory_space<vmem>>) semaphore(%run_scoped3A : memref<!tpu.dma_semaphore, #tpu.memory_space<semaphore_mem>>) {add = true}
          %dma_wait3A_130 = tpu.memref_slice %arg8[%mul3A_125] : memref<10000xi32, #tpu.memory_space<vmem>> -> memref<40xi32, #tpu.memory_space<vmem>>
          %dma_wait3A_131 = arith.constant 0 : i32
          %dma_wait3A_132 = arith.constant 0 : i32
          %dma_wait3A_133 = tpu.memref_slice %arg14[%dma_wait3A_131, %dma_wait3A_132] : memref<10240x128xf32, #tpu.memory_space<vmem_shared>> -> memref<10240x128xf32, #tpu.memory_space<vmem_shared>>
          tpu.wait_indirect_dma semaphore(%run_scoped3A : memref<!tpu.dma_semaphore, #tpu.memory_space<semaphore_mem>>) src(%arg9 : memref<40x128xf32, #tpu.memory_space<vmem>>) dst(%dma_wait3A_133 : memref<10240x128xf32, #tpu.memory_space<vmem_shared>>)
          tpu.yield
        }) : () -> ()
      } else {
      }
      %add3A_53 = arith.constant 5 : i32
      %add3A_54 = arith.addi %mul3A_38, %add3A_53 : i32
      %add3A_55 = arith.constant 0 : i32
      %add3A_56 = arith.addi %add3A_54, %add3A_55 : i32
      %lt3A_57 = arith.constant 250 : i32
      %lt3A_58 = arith.cmpi slt, %add3A_56, %lt3A_57 : i32
      %convert_element_type3A_59 = arith.extui %lt3A_58 : i1 to i32
      %cond3A_60 = arith.constant 0 : i32
      %cond3A_61 = arith.cmpi ne, %convert_element_type3A_59, %cond3A_60 : i32
      scf.if %cond3A_61 {
        %add3A_117 = arith.constant 5 : i32
        %add3A_118 = arith.addi %mul3A_38, %add3A_117 : i32
        %add3A_119 = arith.constant 0 : i32
        %add3A_120 = arith.addi %add3A_118, %add3A_119 : i32
        %mul3A_121 = arith.constant 40 : i32
        %mul3A_122 = arith.muli %add3A_120, %mul3A_121 : i32
        %dma_start3A_123 = tpu.memref_slice %arg7[%mul3A_122] : memref<10000xi32, #tpu.memory_space<vmem>> -> memref<40xi32, #tpu.memory_space<vmem>>
        %dma_start3A_124 = arith.constant 0 : i32
        %dma_start3A_125 = arith.constant 0 : i32
        %dma_start3A_126 = tpu.memref_slice %arg2[%dma_start3A_124, %dma_start3A_125] : memref<10240x128xf32, #tpu.memory_space<hbm>> -> memref<10240x128xf32, #tpu.memory_space<hbm>>
        tpu.enqueue_indirect_dma source(%dma_start3A_126 : memref<10240x128xf32, #tpu.memory_space<hbm>>) target(%arg9 : memref<40x128xf32, #tpu.memory_space<vmem>>) offsets(%dma_start3A_123 : memref<40xi32, #tpu.memory_space<vmem>>) semaphore(%arg15 : memref<!tpu.dma_semaphore, #tpu.memory_space<semaphore_mem>>)
      } else {
      }
      %add3A_62 = arith.constant 1 : i32
      %add3A_63 = arith.addi %mul3A_38, %add3A_62 : i32
      %lt3A_64 = arith.constant 250 : i32
      %lt3A_65 = arith.cmpi slt, %add3A_63, %lt3A_64 : i32
      %convert_element_type3A_66 = arith.extui %lt3A_65 : i1 to i32
      %cond3A_67 = arith.constant 0 : i32
      %cond3A_68 = arith.cmpi ne, %convert_element_type3A_66, %cond3A_67 : i32
      scf.if %cond3A_68 {
        %add3A_117 = arith.constant 1 : i32
        %add3A_118 = arith.addi %mul3A_38, %add3A_117 : i32
        %mul3A_119 = arith.constant 40 : i32
        %mul3A_120 = arith.muli %add3A_118, %mul3A_119 : i32
        %dma_wait3A = tpu.memref_slice %arg7[%mul3A_120] : memref<10000xi32, #tpu.memory_space<vmem>> -> memref<40xi32, #tpu.memory_space<vmem>>
        %dma_wait3A_121 = arith.constant 0 : i32
        %dma_wait3A_122 = arith.constant 0 : i32
        %dma_wait3A_123 = tpu.memref_slice %arg2[%dma_wait3A_121, %dma_wait3A_122] : memref<10240x128xf32, #tpu.memory_space<hbm>> -> memref<10240x128xf32, #tpu.memory_space<hbm>>
        tpu.wait_indirect_dma semaphore(%arg16 : memref<!tpu.dma_semaphore, #tpu.memory_space<semaphore_mem>>) src(%dma_wait3A_123 : memref<10240x128xf32, #tpu.memory_space<hbm>>) dst(%arg10 : memref<40x128xf32, #tpu.memory_space<vmem>>)
        %mul3A_124 = arith.constant 40 : i32
        %mul3A_125 = arith.muli %add3A_118, %mul3A_124 : i32
        "tpu.region"() ({
          %run_scoped3A = tpu.sem_alloc : memref<!tpu.dma_semaphore, #tpu.memory_space<semaphore_mem>>
          %dma_start3A_126 = tpu.memref_slice %arg8[%mul3A_125] : memref<10000xi32, #tpu.memory_space<vmem>> -> memref<40xi32, #tpu.memory_space<vmem>>
          %dma_start3A_127 = arith.constant 0 : i32
          %dma_start3A_128 = arith.constant 0 : i32
          %dma_start3A_129 = tpu.memref_slice %arg14[%dma_start3A_127, %dma_start3A_128] : memref<10240x128xf32, #tpu.memory_space<vmem_shared>> -> memref<10240x128xf32, #tpu.memory_space<vmem_shared>>
          tpu.enqueue_indirect_dma source(%arg10 : memref<40x128xf32, #tpu.memory_space<vmem>>) target(%dma_start3A_129 : memref<10240x128xf32, #tpu.memory_space<vmem_shared>>) offsets(%dma_start3A_126 : memref<40xi32, #tpu.memory_space<vmem>>) semaphore(%run_scoped3A : memref<!tpu.dma_semaphore, #tpu.memory_space<semaphore_mem>>) {add = true}
          %dma_wait3A_130 = tpu.memref_slice %arg8[%mul3A_125] : memref<10000xi32, #tpu.memory_space<vmem>> -> memref<40xi32, #tpu.memory_space<vmem>>
          %dma_wait3A_131 = arith.constant 0 : i32
          %dma_wait3A_132 = arith.constant 0 : i32
          %dma_wait3A_133 = tpu.memref_slice %arg14[%dma_wait3A_131, %dma_wait3A_132] : memref<10240x128xf32, #tpu.memory_space<vmem_shared>> -> memref<10240x128xf32, #tpu.memory_space<vmem_shared>>
          tpu.wait_indirect_dma semaphore(%run_scoped3A : memref<!tpu.dma_semaphore, #tpu.memory_space<semaphore_mem>>) src(%arg10 : memref<40x128xf32, #tpu.memory_space<vmem>>) dst(%dma_wait3A_133 : memref<10240x128xf32, #tpu.memory_space<vmem_shared>>)
          tpu.yield
        }) : () -> ()
      } else {
      }
      %add3A_69 = arith.constant 5 : i32
      %add3A_70 = arith.addi %mul3A_38, %add3A_69 : i32
      %add3A_71 = arith.constant 1 : i32
      %add3A_72 = arith.addi %add3A_70, %add3A_71 : i32
      %lt3A_73 = arith.constant 250 : i32
      %lt3A_74 = arith.cmpi slt, %add3A_72, %lt3A_73 : i32
      %convert_element_type3A_75 = arith.extui %lt3A_74 : i1 to i32
      %cond3A_76 = arith.constant 0 : i32
      %cond3A_77 = arith.cmpi ne, %convert_element_type3A_75, %cond3A_76 : i32
      scf.if %cond3A_77 {
        %add3A_117 = arith.constant 5 : i32
        %add3A_118 = arith.addi %mul3A_38, %add3A_117 : i32
        %add3A_119 = arith.constant 1 : i32
        %add3A_120 = arith.addi %add3A_118, %add3A_119 : i32
        %mul3A_121 = arith.constant 40 : i32
        %mul3A_122 = arith.muli %add3A_120, %mul3A_121 : i32
        %dma_start3A_123 = tpu.memref_slice %arg7[%mul3A_122] : memref<10000xi32, #tpu.memory_space<vmem>> -> memref<40xi32, #tpu.memory_space<vmem>>
        %dma_start3A_124 = arith.constant 0 : i32
        %dma_start3A_125 = arith.constant 0 : i32
        %dma_start3A_126 = tpu.memref_slice %arg2[%dma_start3A_124, %dma_start3A_125] : memref<10240x128xf32, #tpu.memory_space<hbm>> -> memref<10240x128xf32, #tpu.memory_space<hbm>>
        tpu.enqueue_indirect_dma source(%dma_start3A_126 : memref<10240x128xf32, #tpu.memory_space<hbm>>) target(%arg10 : memref<40x128xf32, #tpu.memory_space<vmem>>) offsets(%dma_start3A_123 : memref<40xi32, #tpu.memory_space<vmem>>) semaphore(%arg16 : memref<!tpu.dma_semaphore, #tpu.memory_space<semaphore_mem>>)
      } else {
      }
      %add3A_78 = arith.constant 2 : i32
      %add3A_79 = arith.addi %mul3A_38, %add3A_78 : i32
      %lt3A_80 = arith.constant 250 : i32
      %lt3A_81 = arith.cmpi slt, %add3A_79, %lt3A_80 : i32
      %convert_element_type3A_82 = arith.extui %lt3A_81 : i1 to i32
      %cond3A_83 = arith.constant 0 : i32
      %cond3A_84 = arith.cmpi ne, %convert_element_type3A_82, %cond3A_83 : i32
      scf.if %cond3A_84 {
        %add3A_117 = arith.constant 2 : i32
        %add3A_118 = arith.addi %mul3A_38, %add3A_117 : i32
        %mul3A_119 = arith.constant 40 : i32
        %mul3A_120 = arith.muli %add3A_118, %mul3A_119 : i32
        %dma_wait3A = tpu.memref_slice %arg7[%mul3A_120] : memref<10000xi32, #tpu.memory_space<vmem>> -> memref<40xi32, #tpu.memory_space<vmem>>
        %dma_wait3A_121 = arith.constant 0 : i32
        %dma_wait3A_122 = arith.constant 0 : i32
        %dma_wait3A_123 = tpu.memref_slice %arg2[%dma_wait3A_121, %dma_wait3A_122] : memref<10240x128xf32, #tpu.memory_space<hbm>> -> memref<10240x128xf32, #tpu.memory_space<hbm>>
        tpu.wait_indirect_dma semaphore(%arg17 : memref<!tpu.dma_semaphore, #tpu.memory_space<semaphore_mem>>) src(%dma_wait3A_123 : memref<10240x128xf32, #tpu.memory_space<hbm>>) dst(%arg11 : memref<40x128xf32, #tpu.memory_space<vmem>>)
        %mul3A_124 = arith.constant 40 : i32
        %mul3A_125 = arith.muli %add3A_118, %mul3A_124 : i32
        "tpu.region"() ({
          %run_scoped3A = tpu.sem_alloc : memref<!tpu.dma_semaphore, #tpu.memory_space<semaphore_mem>>
          %dma_start3A_126 = tpu.memref_slice %arg8[%mul3A_125] : memref<10000xi32, #tpu.memory_space<vmem>> -> memref<40xi32, #tpu.memory_space<vmem>>
          %dma_start3A_127 = arith.constant 0 : i32
          %dma_start3A_128 = arith.constant 0 : i32
          %dma_start3A_129 = tpu.memref_slice %arg14[%dma_start3A_127, %dma_start3A_128] : memref<10240x128xf32, #tpu.memory_space<vmem_shared>> -> memref<10240x128xf32, #tpu.memory_space<vmem_shared>>
          tpu.enqueue_indirect_dma source(%arg11 : memref<40x128xf32, #tpu.memory_space<vmem>>) target(%dma_start3A_129 : memref<10240x128xf32, #tpu.memory_space<vmem_shared>>) offsets(%dma_start3A_126 : memref<40xi32, #tpu.memory_space<vmem>>) semaphore(%run_scoped3A : memref<!tpu.dma_semaphore, #tpu.memory_space<semaphore_mem>>) {add = true}
          %dma_wait3A_130 = tpu.memref_slice %arg8[%mul3A_125] : memref<10000xi32, #tpu.memory_space<vmem>> -> memref<40xi32, #tpu.memory_space<vmem>>
          %dma_wait3A_131 = arith.constant 0 : i32
          %dma_wait3A_132 = arith.constant 0 : i32
          %dma_wait3A_133 = tpu.memref_slice %arg14[%dma_wait3A_131, %dma_wait3A_132] : memref<10240x128xf32, #tpu.memory_space<vmem_shared>> -> memref<10240x128xf32, #tpu.memory_space<vmem_shared>>
          tpu.wait_indirect_dma semaphore(%run_scoped3A : memref<!tpu.dma_semaphore, #tpu.memory_space<semaphore_mem>>) src(%arg11 : memref<40x128xf32, #tpu.memory_space<vmem>>) dst(%dma_wait3A_133 : memref<10240x128xf32, #tpu.memory_space<vmem_shared>>)
          tpu.yield
        }) : () -> ()
      } else {
      }
      %add3A_85 = arith.constant 5 : i32
      %add3A_86 = arith.addi %mul3A_38, %add3A_85 : i32
      %add3A_87 = arith.constant 2 : i32
      %add3A_88 = arith.addi %add3A_86, %add3A_87 : i32
      %lt3A_89 = arith.constant 250 : i32
      %lt3A_90 = arith.cmpi slt, %add3A_88, %lt3A_89 : i32
      %convert_element_type3A_91 = arith.extui %lt3A_90 : i1 to i32
      %cond3A_92 = arith.constant 0 : i32
      %cond3A_93 = arith.cmpi ne, %convert_element_type3A_91, %cond3A_92 : i32
      scf.if %cond3A_93 {
        %add3A_117 = arith.constant 5 : i32
        %add3A_118 = arith.addi %mul3A_38, %add3A_117 : i32
        %add3A_119 = arith.constant 2 : i32
        %add3A_120 = arith.addi %add3A_118, %add3A_119 : i32
        %mul3A_121 = arith.constant 40 : i32
        %mul3A_122 = arith.muli %add3A_120, %mul3A_121 : i32
        %dma_start3A_123 = tpu.memref_slice %arg7[%mul3A_122] : memref<10000xi32, #tpu.memory_space<vmem>> -> memref<40xi32, #tpu.memory_space<vmem>>
        %dma_start3A_124 = arith.constant 0 : i32
        %dma_start3A_125 = arith.constant 0 : i32
        %dma_start3A_126 = tpu.memref_slice %arg2[%dma_start3A_124, %dma_start3A_125] : memref<10240x128xf32, #tpu.memory_space<hbm>> -> memref<10240x128xf32, #tpu.memory_space<hbm>>
        tpu.enqueue_indirect_dma source(%dma_start3A_126 : memref<10240x128xf32, #tpu.memory_space<hbm>>) target(%arg11 : memref<40x128xf32, #tpu.memory_space<vmem>>) offsets(%dma_start3A_123 : memref<40xi32, #tpu.memory_space<vmem>>) semaphore(%arg17 : memref<!tpu.dma_semaphore, #tpu.memory_space<semaphore_mem>>)
      } else {
      }
      %add3A_94 = arith.constant 3 : i32
      %add3A_95 = arith.addi %mul3A_38, %add3A_94 : i32
      %lt3A_96 = arith.constant 250 : i32
      %lt3A_97 = arith.cmpi slt, %add3A_95, %lt3A_96 : i32
      %convert_element_type3A_98 = arith.extui %lt3A_97 : i1 to i32
      %cond3A_99 = arith.constant 0 : i32
      %cond3A_100 = arith.cmpi ne, %convert_element_type3A_98, %cond3A_99 : i32
      scf.if %cond3A_100 {
        %add3A_117 = arith.constant 3 : i32
        %add3A_118 = arith.addi %mul3A_38, %add3A_117 : i32
        %mul3A_119 = arith.constant 40 : i32
        %mul3A_120 = arith.muli %add3A_118, %mul3A_119 : i32
        %dma_wait3A = tpu.memref_slice %arg7[%mul3A_120] : memref<10000xi32, #tpu.memory_space<vmem>> -> memref<40xi32, #tpu.memory_space<vmem>>
        %dma_wait3A_121 = arith.constant 0 : i32
        %dma_wait3A_122 = arith.constant 0 : i32
        %dma_wait3A_123 = tpu.memref_slice %arg2[%dma_wait3A_121, %dma_wait3A_122] : memref<10240x128xf32, #tpu.memory_space<hbm>> -> memref<10240x128xf32, #tpu.memory_space<hbm>>
        tpu.wait_indirect_dma semaphore(%arg18 : memref<!tpu.dma_semaphore, #tpu.memory_space<semaphore_mem>>) src(%dma_wait3A_123 : memref<10240x128xf32, #tpu.memory_space<hbm>>) dst(%arg12 : memref<40x128xf32, #tpu.memory_space<vmem>>)
        %mul3A_124 = arith.constant 40 : i32
        %mul3A_125 = arith.muli %add3A_118, %mul3A_124 : i32
        "tpu.region"() ({
          %run_scoped3A = tpu.sem_alloc : memref<!tpu.dma_semaphore, #tpu.memory_space<semaphore_mem>>
          %dma_start3A_126 = tpu.memref_slice %arg8[%mul3A_125] : memref<10000xi32, #tpu.memory_space<vmem>> -> memref<40xi32, #tpu.memory_space<vmem>>
          %dma_start3A_127 = arith.constant 0 : i32
          %dma_start3A_128 = arith.constant 0 : i32
          %dma_start3A_129 = tpu.memref_slice %arg14[%dma_start3A_127, %dma_start3A_128] : memref<10240x128xf32, #tpu.memory_space<vmem_shared>> -> memref<10240x128xf32, #tpu.memory_space<vmem_shared>>
          tpu.enqueue_indirect_dma source(%arg12 : memref<40x128xf32, #tpu.memory_space<vmem>>) target(%dma_start3A_129 : memref<10240x128xf32, #tpu.memory_space<vmem_shared>>) offsets(%dma_start3A_126 : memref<40xi32, #tpu.memory_space<vmem>>) semaphore(%run_scoped3A : memref<!tpu.dma_semaphore, #tpu.memory_space<semaphore_mem>>) {add = true}
          %dma_wait3A_130 = tpu.memref_slice %arg8[%mul3A_125] : memref<10000xi32, #tpu.memory_space<vmem>> -> memref<40xi32, #tpu.memory_space<vmem>>
          %dma_wait3A_131 = arith.constant 0 : i32
          %dma_wait3A_132 = arith.constant 0 : i32
          %dma_wait3A_133 = tpu.memref_slice %arg14[%dma_wait3A_131, %dma_wait3A_132] : memref<10240x128xf32, #tpu.memory_space<vmem_shared>> -> memref<10240x128xf32, #tpu.memory_space<vmem_shared>>
          tpu.wait_indirect_dma semaphore(%run_scoped3A : memref<!tpu.dma_semaphore, #tpu.memory_space<semaphore_mem>>) src(%arg12 : memref<40x128xf32, #tpu.memory_space<vmem>>) dst(%dma_wait3A_133 : memref<10240x128xf32, #tpu.memory_space<vmem_shared>>)
          tpu.yield
        }) : () -> ()
      } else {
      }
      %add3A_101 = arith.constant 5 : i32
      %add3A_102 = arith.addi %mul3A_38, %add3A_101 : i32
      %add3A_103 = arith.constant 3 : i32
      %add3A_104 = arith.addi %add3A_102, %add3A_103 : i32
      %lt3A_105 = arith.constant 250 : i32
      %lt3A_106 = arith.cmpi slt, %add3A_104, %lt3A_105 : i32
      %convert_element_type3A_107 = arith.extui %lt3A_106 : i1 to i32
      %cond3A_108 = arith.constant 0 : i32
      %cond3A_109 = arith.cmpi ne, %convert_element_type3A_107, %cond3A_108 : i32
      scf.if %cond3A_109 {
        %add3A_117 = arith.constant 5 : i32
        %add3A_118 = arith.addi %mul3A_38, %add3A_117 : i32
        %add3A_119 = arith.constant 3 : i32
        %add3A_120 = arith.addi %add3A_118, %add3A_119 : i32
        %mul3A_121 = arith.constant 40 : i32
        %mul3A_122 = arith.muli %add3A_120, %mul3A_121 : i32
        %dma_start3A_123 = tpu.memref_slice %arg7[%mul3A_122] : memref<10000xi32, #tpu.memory_space<vmem>> -> memref<40xi32, #tpu.memory_space<vmem>>
        %dma_start3A_124 = arith.constant 0 : i32
        %dma_start3A_125 = arith.constant 0 : i32
        %dma_start3A_126 = tpu.memref_slice %arg2[%dma_start3A_124, %dma_start3A_125] : memref<10240x128xf32, #tpu.memory_space<hbm>> -> memref<10240x128xf32, #tpu.memory_space<hbm>>
        tpu.enqueue_indirect_dma source(%dma_start3A_126 : memref<10240x128xf32, #tpu.memory_space<hbm>>) target(%arg12 : memref<40x128xf32, #tpu.memory_space<vmem>>) offsets(%dma_start3A_123 : memref<40xi32, #tpu.memory_space<vmem>>) semaphore(%arg18 : memref<!tpu.dma_semaphore, #tpu.memory_space<semaphore_mem>>)
      } else {
      }
      %add3A_110 = arith.constant 4 : i32
      %add3A_111 = arith.addi %mul3A_38, %add3A_110 : i32
      %lt3A_112 = arith.constant 250 : i32
      %lt3A_113 = arith.cmpi slt, %add3A_111, %lt3A_112 : i32
      %convert_element_type3A_114 = arith.extui %lt3A_113 : i1 to i32
      %cond3A_115 = arith.constant 0 : i32
      %cond3A_116 = arith.cmpi ne, %convert_element_type3A_114, %cond3A_115 : i32
      scf.if %cond3A_116 {
        %add3A_117 = arith.constant 4 : i32
        %add3A_118 = arith.addi %mul3A_38, %add3A_117 : i32
        %mul3A_119 = arith.constant 40 : i32
        %mul3A_120 = arith.muli %add3A_118, %mul3A_119 : i32
        %dma_wait3A = tpu.memref_slice %arg7[%mul3A_120] : memref<10000xi32, #tpu.memory_space<vmem>> -> memref<40xi32, #tpu.memory_space<vmem>>
        %dma_wait3A_121 = arith.constant 0 : i32
        %dma_wait3A_122 = arith.constant 0 : i32
        %dma_wait3A_123 = tpu.memref_slice %arg2[%dma_wait3A_121, %dma_wait3A_122] : memref<10240x128xf32, #tpu.memory_space<hbm>> -> memref<10240x128xf32, #tpu.memory_space<hbm>>
        tpu.wait_indirect_dma semaphore(%arg19 : memref<!tpu.dma_semaphore, #tpu.memory_space<semaphore_mem>>) src(%dma_wait3A_123 : memref<10240x128xf32, #tpu.memory_space<hbm>>) dst(%arg13 : memref<40x128xf32, #tpu.memory_space<vmem>>)
        %mul3A_124 = arith.constant 40 : i32
        %mul3A_125 = arith.muli %add3A_118, %mul3A_124 : i32
        "tpu.region"() ({
          %run_scoped3A = tpu.sem_alloc : memref<!tpu.dma_semaphore, #tpu.memory_space<semaphore_mem>>
          %dma_start3A_126 = tpu.memref_slice %arg8[%mul3A_125] : memref<10000xi32, #tpu.memory_space<vmem>> -> memref<40xi32, #tpu.memory_space<vmem>>
          %dma_start3A_127 = arith.constant 0 : i32
          %dma_start3A_128 = arith.constant 0 : i32
          %dma_start3A_129 = tpu.memref_slice %arg14[%dma_start3A_127, %dma_start3A_128] : memref<10240x128xf32, #tpu.memory_space<vmem_shared>> -> memref<10240x128xf32, #tpu.memory_space<vmem_shared>>
          tpu.enqueue_indirect_dma source(%arg13 : memref<40x128xf32, #tpu.memory_space<vmem>>) target(%dma_start3A_129 : memref<10240x128xf32, #tpu.memory_space<vmem_shared>>) offsets(%dma_start3A_126 : memref<40xi32, #tpu.memory_space<vmem>>) semaphore(%run_scoped3A : memref<!tpu.dma_semaphore, #tpu.memory_space<semaphore_mem>>) {add = true}
          %dma_wait3A_130 = tpu.memref_slice %arg8[%mul3A_125] : memref<10000xi32, #tpu.memory_space<vmem>> -> memref<40xi32, #tpu.memory_space<vmem>>
          %dma_wait3A_131 = arith.constant 0 : i32
          %dma_wait3A_132 = arith.constant 0 : i32
          %dma_wait3A_133 = tpu.memref_slice %arg14[%dma_wait3A_131, %dma_wait3A_132] : memref<10240x128xf32, #tpu.memory_space<vmem_shared>> -> memref<10240x128xf32, #tpu.memory_space<vmem_shared>>
          tpu.wait_indirect_dma semaphore(%run_scoped3A : memref<!tpu.dma_semaphore, #tpu.memory_space<semaphore_mem>>) src(%arg13 : memref<40x128xf32, #tpu.memory_space<vmem>>) dst(%dma_wait3A_133 : memref<10240x128xf32, #tpu.memory_space<vmem_shared>>)
          tpu.yield
        }) : () -> ()
      } else {
      }
    }
    %scan3A_30 = arith.constant 50 : i32
    %barrier3A_31 = arith.constant 0 : index
    tpu.barrier barrier_id(%barrier3A_31)
    %mul3A_32 = arith.constant 640 : i32
    %mul3A_33 = arith.muli %arg1, %mul3A_32 : i32
    %mul3A_34 = arith.constant 640 : i32
    %mul3A_35 = arith.muli %arg1, %mul3A_34 : i32
    "tpu.region"() ({
      %run_scoped3A = tpu.sem_alloc : memref<!tpu.dma_semaphore, #tpu.memory_space<semaphore_mem>>
      %dma_start3A_36 = arith.constant 0 : i32
      %dma_start3A_37 = tpu.memref_slice %arg6[%arg0, %mul3A_35, %dma_start3A_36] : memref<2x10240x128xf32, #tpu.memory_space<hbm>> -> memref<1x640x128xf32, #tpu.memory_space<hbm>>
      %dma_start3A_38 = tpu.memref_squeeze %dma_start3A_37 : memref<1x640x128xf32, #tpu.memory_space<hbm>> -> memref<640x128xf32, #tpu.memory_space<hbm>>
      %dma_start3A_39 = arith.constant 0 : i32
      %dma_start3A_40 = tpu.memref_slice %arg14[%mul3A_33, %dma_start3A_39] : memref<10240x128xf32, #tpu.memory_space<vmem_shared>> -> memref<640x128xf32, #tpu.memory_space<vmem_shared>>
      tpu.enqueue_dma source(%dma_start3A_40 : memref<640x128xf32, #tpu.memory_space<vmem_shared>>) target(%dma_start3A_38 : memref<640x128xf32, #tpu.memory_space<hbm>>) target_semaphore(%run_scoped3A : memref<!tpu.dma_semaphore, #tpu.memory_space<semaphore_mem>>)
      %dma_wait3A = arith.constant 0 : i32
      %dma_wait3A_41 = tpu.memref_slice %arg6[%arg0, %mul3A_35, %dma_wait3A] : memref<2x10240x128xf32, #tpu.memory_space<hbm>> -> memref<1x640x128xf32, #tpu.memory_space<hbm>>
      %dma_wait3A_42 = tpu.memref_squeeze %dma_wait3A_41 : memref<1x640x128xf32, #tpu.memory_space<hbm>> -> memref<640x128xf32, #tpu.memory_space<hbm>>
      %dma_wait3A_43 = arith.constant 0 : i32
      %dma_wait3A_44 = tpu.memref_slice %arg14[%mul3A_33, %dma_wait3A_43] : memref<10240x128xf32, #tpu.memory_space<vmem_shared>> -> memref<640x128xf32, #tpu.memory_space<vmem_shared>>
      tpu.wait_dma2 semaphore(%run_scoped3A : memref<!tpu.dma_semaphore, #tpu.memory_space<semaphore_mem>>) src(%dma_wait3A_44 : memref<640x128xf32, #tpu.memory_space<vmem_shared>>) dst(%dma_wait3A_42 : memref<640x128xf32, #tpu.memory_space<hbm>>)
      tpu.yield
    }) : () -> ()
    return
  }
}

module attributes {stable_mosaic.version = 14 : i64} {
  func.func @_tc_mlp_body(%arg0: i32, %arg1: memref<1024x128xf32, #tpu.memory_space<vmem>>, %arg2: memref<1024x128xf32, #tpu.memory_space<vmem>>, %arg3: memref<128x128xf32, #tpu.memory_space<vmem>>, %arg4: memref<128xf32, #tpu.memory_space<vmem>>, %arg5: memref<128x128xf32, #tpu.memory_space<vmem>>, %arg6: memref<128xf32, #tpu.memory_space<vmem>>, %arg7: memref<1024x128xf32, #tpu.memory_space<vmem>>) attributes {dimension_semantics = [#tpu.dimension_semantics<arbitrary>], iteration_bounds = array<i64: 10>, scalar_prefetch = 0 : i64, scratch_operands = 0 : i64, tpu.core_type = #tpu.core_type<tc>, window_params = [{transform_indices = @transform_0, window_bounds = array<i64: 1024, 128>}, {transform_indices = @transform_1, window_bounds = array<i64: 1024, 128>}, {pipeline_mode = #tpu.pipeline_mode<synchronous>, transform_indices = @transform_2, window_bounds = array<i64: 128, 128>}, {pipeline_mode = #tpu.pipeline_mode<synchronous>, transform_indices = @transform_3, window_bounds = array<i64: 128>}, {pipeline_mode = #tpu.pipeline_mode<synchronous>, transform_indices = @transform_4, window_bounds = array<i64: 128, 128>}, {pipeline_mode = #tpu.pipeline_mode<synchronous>, transform_indices = @transform_5, window_bounds = array<i64: 128>}, {transform_indices = @transform_6, window_bounds = array<i64: 1024, 128>}]} {
    %get3A = arith.constant 0 : index
    %get3A_0 = arith.constant 0 : index
    %get3A_1 = vector.load %arg1[%get3A, %get3A_0] : memref<1024x128xf32, #tpu.memory_space<vmem>>, vector<1024x128xf32>
    %get3A_2 = arith.constant 0 : index
    %get3A_3 = arith.constant 0 : index
    %get3A_4 = vector.load %arg2[%get3A_2, %get3A_3] : memref<1024x128xf32, #tpu.memory_space<vmem>>, vector<1024x128xf32>
    %add3A = arith.addf %get3A_1, %get3A_4 : vector<1024x128xf32>
    %get3A_5 = arith.constant 0 : index
    %get3A_6 = arith.constant 0 : index
    %get3A_7 = vector.load %arg3[%get3A_5, %get3A_6] : memref<128x128xf32, #tpu.memory_space<vmem>>, vector<128x128xf32>
    %dot_general3A = arith.constant dense<0.000000e+00> : vector<1024x128xf32>
    %dot_general3A_8 = tpu.matmul %add3A, %get3A_7, %dot_general3A {dimension_numbers = #tpu.dot_dimension_numbers<[1], [0], [0], [1], [0, 0, 1, 1], [], []>, transpose_lhs_hint = false} : vector<1024x128xf32>, vector<128x128xf32>, vector<1024x128xf32> -> vector<1024x128xf32>
    %get3A_9 = arith.constant 0 : index
    %get3A_10 = vector.load %arg4[%get3A_9] : memref<128xf32, #tpu.memory_space<vmem>>, vector<128xf32>
    %broadcast_in_dim3A = vector.shape_cast %get3A_10 : vector<128xf32> to vector<1x128xf32>
    %add3A_11 = vector.broadcast %broadcast_in_dim3A : vector<1x128xf32> to vector<1024x128xf32>
    %add3A_12 = arith.addf %dot_general3A_8, %add3A_11 : vector<1024x128xf32>
    %max3A = arith.constant 0.000000e+00 : f32
    %max3A_13 = vector.broadcast %max3A : f32 to vector<1024x128xf32>
    %max3A_14 = arith.maximumf %add3A_12, %max3A_13 : vector<1024x128xf32>
    %get3A_15 = arith.constant 0 : index
    %get3A_16 = arith.constant 0 : index
    %get3A_17 = vector.load %arg5[%get3A_15, %get3A_16] : memref<128x128xf32, #tpu.memory_space<vmem>>, vector<128x128xf32>
    %dot_general3A_18 = arith.constant dense<0.000000e+00> : vector<1024x128xf32>
    %dot_general3A_19 = tpu.matmul %max3A_14, %get3A_17, %dot_general3A_18 {dimension_numbers = #tpu.dot_dimension_numbers<[1], [0], [0], [1], [0, 0, 1, 1], [], []>, transpose_lhs_hint = false} : vector<1024x128xf32>, vector<128x128xf32>, vector<1024x128xf32> -> vector<1024x128xf32>
    %get3A_20 = arith.constant 0 : index
    %get3A_21 = vector.load %arg6[%get3A_20] : memref<128xf32, #tpu.memory_space<vmem>>, vector<128xf32>
    %broadcast_in_dim3A_22 = vector.shape_cast %get3A_21 : vector<128xf32> to vector<1x128xf32>
    %add3A_23 = vector.broadcast %broadcast_in_dim3A_22 : vector<1x128xf32> to vector<1024x128xf32>
    %add3A_24 = arith.addf %dot_general3A_19, %add3A_23 : vector<1024x128xf32>
    %max3A_25 = arith.constant 0.000000e+00 : f32
    %max3A_26 = vector.broadcast %max3A_25 : f32 to vector<1024x128xf32>
    %max3A_27 = arith.maximumf %add3A_24, %max3A_26 : vector<1024x128xf32>
    %swap3A = arith.constant 0 : index
    %swap3A_28 = arith.constant 0 : index
    %swap3A_29 = vector.load %arg7[%swap3A, %swap3A_28] : memref<1024x128xf32, #tpu.memory_space<vmem>>, vector<1024x128xf32>
    tpu.vector_store %arg7[%swap3A, %swap3A_28], %max3A_27 {strides = array<i32>} : memref<1024x128xf32, #tpu.memory_space<vmem>>, vector<1024x128xf32>,
    return
  }
  func.func @transform_0(%arg0: i32) -> (i32, i32) {
    %c0_i32 = arith.constant 0 : i32
    %c0_i32_0 = arith.constant 0 : i32
    return %arg0, %c0_i32 : i32, i32
  }
  func.func @transform_1(%arg0: i32) -> (i32, i32) {
    %c0_i32 = arith.constant 0 : i32
    %c0_i32_0 = arith.constant 0 : i32
    return %arg0, %c0_i32 : i32, i32
  }
  func.func @transform_2(%arg0: i32) -> (i32, i32) {
    %c0_i32 = arith.constant 0 : i32
    %c0_i32_0 = arith.constant 0 : i32
    %c0_i32_1 = arith.constant 0 : i32
    return %c0_i32, %c0_i32_0 : i32, i32
  }
  func.func @transform_3(%arg0: i32) -> i32 {
    %c0_i32 = arith.constant 0 : i32
    %c0_i32_0 = arith.constant 0 : i32
    return %c0_i32 : i32
  }
  func.func @transform_4(%arg0: i32) -> (i32, i32) {
    %c0_i32 = arith.constant 0 : i32
    %c0_i32_0 = arith.constant 0 : i32
    %c0_i32_1 = arith.constant 0 : i32
    return %c0_i32, %c0_i32_0 : i32, i32
  }
  func.func @transform_5(%arg0: i32) -> i32 {
    %c0_i32 = arith.constant 0 : i32
    %c0_i32_0 = arith.constant 0 : i32
    return %c0_i32 : i32
  }
  func.func @transform_6(%arg0: i32) -> (i32, i32) {
    %c0_i32 = arith.constant 0 : i32
    %c0_i32_0 = arith.constant 0 : i32
    return %arg0, %c0_i32 : i32, i32
  }
}

module attributes {stable_mosaic.version = 14 : i64} {
  func.func @_tc_tail_body(%arg0: i32, %arg1: memref<1024x128xf32, #tpu.memory_space<vmem>>, %arg2: memref<1024x128xf32, #tpu.memory_space<vmem>>, %arg3: memref<1024xi32, #tpu.memory_space<vmem>>, %arg4: memref<128x128xf32, #tpu.memory_space<vmem>>, %arg5: memref<128xf32, #tpu.memory_space<vmem>>, %arg6: memref<128x128xf32, #tpu.memory_space<vmem>>, %arg7: memref<128xf32, #tpu.memory_space<vmem>>, %arg8: memref<128x128xf32, #tpu.memory_space<vmem>>, %arg9: memref<128xf32, #tpu.memory_space<vmem>>, %arg10: memref<128x128xf32, #tpu.memory_space<vmem>>, %arg11: memref<128xf32, #tpu.memory_space<vmem>>, %arg12: memref<128x128xf32, #tpu.memory_space<vmem>>, %arg13: memref<128xf32, #tpu.memory_space<vmem>>, %arg14: memref<128x128xf32, #tpu.memory_space<vmem>>, %arg15: memref<128xf32, #tpu.memory_space<vmem>>, %arg16: memref<512x32xf32, #tpu.memory_space<vmem>>, %arg17: memref<512x128xf32, #tpu.memory_space<vmem>>, %arg18: memref<8x512xf32, #tpu.memory_space<vmem>>) attributes {dimension_semantics = [#tpu.dimension_semantics<arbitrary>], iteration_bounds = array<i64: 10>, scalar_prefetch = 0 : i64, scratch_operands = 2 : i64, tpu.core_type = #tpu.core_type<tc>, window_params = [{transform_indices = @transform_0, window_bounds = array<i64: 1024, 128>}, {transform_indices = @transform_1, window_bounds = array<i64: 1024, 128>}, {transform_indices = @transform_2, window_bounds = array<i64: 1024>}, {pipeline_mode = #tpu.pipeline_mode<synchronous>, transform_indices = @transform_3, window_bounds = array<i64: 128, 128>}, {pipeline_mode = #tpu.pipeline_mode<synchronous>, transform_indices = @transform_4, window_bounds = array<i64: 128>}, {pipeline_mode = #tpu.pipeline_mode<synchronous>, transform_indices = @transform_5, window_bounds = array<i64: 128, 128>}, {pipeline_mode = #tpu.pipeline_mode<synchronous>, transform_indices = @transform_6, window_bounds = array<i64: 128>}, {pipeline_mode = #tpu.pipeline_mode<synchronous>, transform_indices = @transform_7, window_bounds = array<i64: 128, 128>}, {pipeline_mode = #tpu.pipeline_mode<synchronous>, transform_indices = @transform_8, window_bounds = array<i64: 128>}, {pipeline_mode = #tpu.pipeline_mode<synchronous>, transform_indices = @transform_9, window_bounds = array<i64: 128, 128>}, {pipeline_mode = #tpu.pipeline_mode<synchronous>, transform_indices = @transform_10, window_bounds = array<i64: 128>}, {pipeline_mode = #tpu.pipeline_mode<synchronous>, transform_indices = @transform_11, window_bounds = array<i64: 128, 128>}, {pipeline_mode = #tpu.pipeline_mode<synchronous>, transform_indices = @transform_12, window_bounds = array<i64: 128>}, {pipeline_mode = #tpu.pipeline_mode<synchronous>, transform_indices = @transform_13, window_bounds = array<i64: 128, 128>}, {pipeline_mode = #tpu.pipeline_mode<synchronous>, transform_indices = @transform_14, window_bounds = array<i64: 128>}, {pipeline_mode = #tpu.pipeline_mode<synchronous>, transform_indices = @transform_15, window_bounds = array<i64: 512, 32>}]} {
    %get3A = arith.constant 0 : index
    %get3A_0 = arith.constant 0 : index
    %get3A_1 = vector.load %arg1[%get3A, %get3A_0] : memref<1024x128xf32, #tpu.memory_space<vmem>>, vector<1024x128xf32>
    %get3A_2 = arith.constant 0 : index
    %get3A_3 = arith.constant 0 : index
    %get3A_4 = vector.load %arg2[%get3A_2, %get3A_3] : memref<1024x128xf32, #tpu.memory_space<vmem>>, vector<1024x128xf32>
    %add3A = arith.addf %get3A_1, %get3A_4 : vector<1024x128xf32>
    %get3A_5 = arith.constant 0 : index
    %get3A_6 = arith.constant 0 : index
    %get3A_7 = vector.load %arg4[%get3A_5, %get3A_6] : memref<128x128xf32, #tpu.memory_space<vmem>>, vector<128x128xf32>
    %dot_general3A = arith.constant dense<0.000000e+00> : vector<1024x128xf32>
    %dot_general3A_8 = tpu.matmul %add3A, %get3A_7, %dot_general3A {dimension_numbers = #tpu.dot_dimension_numbers<[1], [0], [0], [1], [0, 0, 1, 1], [], []>, transpose_lhs_hint = false} : vector<1024x128xf32>, vector<128x128xf32>, vector<1024x128xf32> -> vector<1024x128xf32>
    %get3A_9 = arith.constant 0 : index
    %get3A_10 = vector.load %arg5[%get3A_9] : memref<128xf32, #tpu.memory_space<vmem>>, vector<128xf32>
    %broadcast_in_dim3A = vector.shape_cast %get3A_10 : vector<128xf32> to vector<1x128xf32>
    %add3A_11 = vector.broadcast %broadcast_in_dim3A : vector<1x128xf32> to vector<1024x128xf32>
    %add3A_12 = arith.addf %dot_general3A_8, %add3A_11 : vector<1024x128xf32>
    %max3A = arith.constant 0.000000e+00 : f32
    %max3A_13 = vector.broadcast %max3A : f32 to vector<1024x128xf32>
    %max3A_14 = arith.maximumf %add3A_12, %max3A_13 : vector<1024x128xf32>
    %get3A_15 = arith.constant 0 : index
    %get3A_16 = arith.constant 0 : index
    %get3A_17 = vector.load %arg6[%get3A_15, %get3A_16] : memref<128x128xf32, #tpu.memory_space<vmem>>, vector<128x128xf32>
    %dot_general3A_18 = arith.constant dense<0.000000e+00> : vector<1024x128xf32>
    %dot_general3A_19 = tpu.matmul %max3A_14, %get3A_17, %dot_general3A_18 {dimension_numbers = #tpu.dot_dimension_numbers<[1], [0], [0], [1], [0, 0, 1, 1], [], []>, transpose_lhs_hint = false} : vector<1024x128xf32>, vector<128x128xf32>, vector<1024x128xf32> -> vector<1024x128xf32>
    %get3A_20 = arith.constant 0 : index
    %get3A_21 = vector.load %arg7[%get3A_20] : memref<128xf32, #tpu.memory_space<vmem>>, vector<128xf32>
    %broadcast_in_dim3A_22 = vector.shape_cast %get3A_21 : vector<128xf32> to vector<1x128xf32>
    %add3A_23 = vector.broadcast %broadcast_in_dim3A_22 : vector<1x128xf32> to vector<1024x128xf32>
    %add3A_24 = arith.addf %dot_general3A_19, %add3A_23 : vector<1024x128xf32>
    %max3A_25 = arith.constant 0.000000e+00 : f32
    %max3A_26 = vector.broadcast %max3A_25 : f32 to vector<1024x128xf32>
    %max3A_27 = arith.maximumf %add3A_24, %max3A_26 : vector<1024x128xf32>
    %get3A_28 = arith.constant 0 : index
    %get3A_29 = vector.load %arg3[%get3A_28] : memref<1024xi32, #tpu.memory_space<vmem>>, vector<1024xi32>
    %broadcast_in_dim3A_30 = vector.shape_cast %get3A_29 : vector<1024xi32> to vector<1024x1xi32>
    %iota3A = tpu.iota {dimensions = array<i32: 1>} : vector<1024x512xi32>
    %eq3A = vector.broadcast %broadcast_in_dim3A_30 : vector<1024x1xi32> to vector<1024x512xi32>
    %eq3A_31 = arith.cmpi eq, %eq3A, %iota3A : vector<1024x512xi32>
    %convert_element_type3A = arith.extui %eq3A_31 : vector<1024x512xi1> to vector<1024x512xi32>
    %convert_element_type3A_32 = arith.sitofp %convert_element_type3A : vector<1024x512xi32> to vector<1024x512xf32>
    %dot_general3A_33 = arith.constant dense<0.000000e+00> : vector<512x128xf32>
    %dot_general3A_34 = tpu.matmul %convert_element_type3A_32, %max3A_27, %dot_general3A_33 {dimension_numbers = #tpu.dot_dimension_numbers<[0], [0], [1], [1], [0, 1, 1, 1], [], []>, transpose_lhs_hint = false} : vector<1024x512xf32>, vector<1024x128xf32>, vector<512x128xf32> -> vector<512x128xf32>
    %reduce_sum3A = arith.constant dense<0.000000e+00> : vector<512xf32>
    %reduce_sum3A_35 = vector.multi_reduction <add>, %convert_element_type3A_32, %reduce_sum3A [0] : vector<1024x512xf32> to vector<512xf32>
    %eq3A_36 = arith.constant 0 : i32
    %eq3A_37 = arith.cmpi eq, %arg0, %eq3A_36 : i32
    %convert_element_type3A_38 = arith.extui %eq3A_37 : i1 to i32
    %cond3A = arith.constant 0 : i32
    %cond3A_39 = arith.cmpi ne, %convert_element_type3A_38, %cond3A : i32
    scf.if %cond3A_39 {
      %swap3A = arith.constant 0 : index
      %swap3A_49 = arith.constant 0 : index
      %swap3A_50 = vector.load %arg17[%swap3A, %swap3A_49] : memref<512x128xf32, #tpu.memory_space<vmem>>, vector<512x128xf32>
      tpu.vector_store %arg17[%swap3A, %swap3A_49], %dot_general3A_34 {strides = array<i32>} : memref<512x128xf32, #tpu.memory_space<vmem>>, vector<512x128xf32>,
      %swap3A_51 = arith.constant 0 : index
      %swap3A_52 = arith.constant 0 : index
      %swap3A_53 = vector.load %arg18[%swap3A_51, %swap3A_52] : memref<8x512xf32, #tpu.memory_space<vmem>>, vector<1x512xf32>
      %swap3A_54 = vector.shape_cast %swap3A_53 : vector<1x512xf32> to vector<512xf32>
      %swap3A_55 = vector.shape_cast %reduce_sum3A_35 : vector<512xf32> to vector<1x512xf32>
      tpu.vector_store %arg18[%swap3A_51, %swap3A_52], %swap3A_55 {strides = array<i32>} : memref<8x512xf32, #tpu.memory_space<vmem>>, vector<1x512xf32>,
    } else {
    }
    %gt3A = arith.constant 0 : i32
    %gt3A_40 = arith.cmpi sgt, %arg0, %gt3A : i32
    %convert_element_type3A_41 = arith.extui %gt3A_40 : i1 to i32
    %cond3A_42 = arith.constant 0 : i32
    %cond3A_43 = arith.cmpi ne, %convert_element_type3A_41, %cond3A_42 : i32
    scf.if %cond3A_43 {
      %get3A_49 = arith.constant 0 : index
      %get3A_50 = arith.constant 0 : index
      %get3A_51 = vector.load %arg17[%get3A_49, %get3A_50] : memref<512x128xf32, #tpu.memory_space<vmem>>, vector<512x128xf32>
      %add3A_52 = arith.addf %get3A_51, %dot_general3A_34 : vector<512x128xf32>
      %swap3A = arith.constant 0 : index
      %swap3A_53 = arith.constant 0 : index
      %swap3A_54 = vector.load %arg17[%swap3A, %swap3A_53] : memref<512x128xf32, #tpu.memory_space<vmem>>, vector<512x128xf32>
      tpu.vector_store %arg17[%swap3A, %swap3A_53], %add3A_52 {strides = array<i32>} : memref<512x128xf32, #tpu.memory_space<vmem>>, vector<512x128xf32>,
      %get3A_55 = arith.constant 0 : index
      %get3A_56 = arith.constant 0 : index
      %get3A_57 = vector.load %arg18[%get3A_55, %get3A_56] : memref<8x512xf32, #tpu.memory_space<vmem>>, vector<1x512xf32>
      %get3A_58 = vector.shape_cast %get3A_57 : vector<1x512xf32> to vector<512xf32>
      %add3A_59 = arith.addf %get3A_58, %reduce_sum3A_35 : vector<512xf32>
      %swap3A_60 = arith.constant 0 : index
      %swap3A_61 = arith.constant 0 : index
      %swap3A_62 = vector.load %arg18[%swap3A_60, %swap3A_61] : memref<8x512xf32, #tpu.memory_space<vmem>>, vector<1x512xf32>
      %swap3A_63 = vector.shape_cast %swap3A_62 : vector<1x512xf32> to vector<512xf32>
      %swap3A_64 = vector.shape_cast %add3A_59 : vector<512xf32> to vector<1x512xf32>
      tpu.vector_store %arg18[%swap3A_60, %swap3A_61], %swap3A_64 {strides = array<i32>} : memref<8x512xf32, #tpu.memory_space<vmem>>, vector<1x512xf32>,
    } else {
    }
    %eq3A_44 = arith.constant 9 : i32
    %eq3A_45 = arith.cmpi eq, %arg0, %eq3A_44 : i32
    %convert_element_type3A_46 = arith.extui %eq3A_45 : i1 to i32
    %cond3A_47 = arith.constant 0 : i32
    %cond3A_48 = arith.cmpi ne, %convert_element_type3A_46, %cond3A_47 : i32
    scf.if %cond3A_48 {
      %get3A_49 = arith.constant 0 : index
      %get3A_50 = arith.constant 0 : index
      %get3A_51 = vector.load %arg18[%get3A_49, %get3A_50] : memref<8x512xf32, #tpu.memory_space<vmem>>, vector<1x512xf32>
      %transpose3A = tpu.transpose %get3A_51, [1, 0] : vector<1x512xf32> -> vector<512x1xf32>
      %get3A_52 = arith.constant 0 : index
      %get3A_53 = arith.constant 0 : index
      %get3A_54 = vector.load %arg17[%get3A_52, %get3A_53] : memref<512x128xf32, #tpu.memory_space<vmem>>, vector<512x128xf32>
      %max3A_55 = arith.constant 1.000000e+00 : f32
      %max3A_56 = vector.broadcast %max3A_55 : f32 to vector<512x1xf32>
      %max3A_57 = arith.maximumf %transpose3A, %max3A_56 : vector<512x1xf32>
      %div3A = vector.broadcast %max3A_57 : vector<512x1xf32> to vector<512x128xf32>
      %div3A_58 = arith.divf %get3A_54, %div3A : vector<512x128xf32>
      %get3A_59 = arith.constant 0 : index
      %get3A_60 = arith.constant 0 : index
      %get3A_61 = vector.load %arg8[%get3A_59, %get3A_60] : memref<128x128xf32, #tpu.memory_space<vmem>>, vector<128x128xf32>
      %dot_general3A_62 = arith.constant dense<0.000000e+00> : vector<512x128xf32>
      %dot_general3A_63 = tpu.matmul %div3A_58, %get3A_61, %dot_general3A_62 {dimension_numbers = #tpu.dot_dimension_numbers<[1], [0], [0], [1], [0, 0, 1, 1], [], []>, transpose_lhs_hint = false} : vector<512x128xf32>, vector<128x128xf32>, vector<512x128xf32> -> vector<512x128xf32>
      %get3A_64 = arith.constant 0 : index
      %get3A_65 = vector.load %arg9[%get3A_64] : memref<128xf32, #tpu.memory_space<vmem>>, vector<128xf32>
      %broadcast_in_dim3A_66 = vector.shape_cast %get3A_65 : vector<128xf32> to vector<1x128xf32>
      %add3A_67 = vector.broadcast %broadcast_in_dim3A_66 : vector<1x128xf32> to vector<512x128xf32>
      %add3A_68 = arith.addf %dot_general3A_63, %add3A_67 : vector<512x128xf32>
      %max3A_69 = arith.constant 0.000000e+00 : f32
      %max3A_70 = vector.broadcast %max3A_69 : f32 to vector<512x128xf32>
      %max3A_71 = arith.maximumf %add3A_68, %max3A_70 : vector<512x128xf32>
      %get3A_72 = arith.constant 0 : index
      %get3A_73 = arith.constant 0 : index
      %get3A_74 = vector.load %arg10[%get3A_72, %get3A_73] : memref<128x128xf32, #tpu.memory_space<vmem>>, vector<128x128xf32>
      %dot_general3A_75 = arith.constant dense<0.000000e+00> : vector<512x128xf32>
      %dot_general3A_76 = tpu.matmul %max3A_71, %get3A_74, %dot_general3A_75 {dimension_numbers = #tpu.dot_dimension_numbers<[1], [0], [0], [1], [0, 0, 1, 1], [], []>, transpose_lhs_hint = false} : vector<512x128xf32>, vector<128x128xf32>, vector<512x128xf32> -> vector<512x128xf32>
      %get3A_77 = arith.constant 0 : index
      %get3A_78 = vector.load %arg11[%get3A_77] : memref<128xf32, #tpu.memory_space<vmem>>, vector<128xf32>
      %broadcast_in_dim3A_79 = vector.shape_cast %get3A_78 : vector<128xf32> to vector<1x128xf32>
      %add3A_80 = vector.broadcast %broadcast_in_dim3A_79 : vector<1x128xf32> to vector<512x128xf32>
      %add3A_81 = arith.addf %dot_general3A_76, %add3A_80 : vector<512x128xf32>
      %get3A_82 = arith.constant 0 : index
      %get3A_83 = arith.constant 0 : index
      %get3A_84 = vector.load %arg12[%get3A_82, %get3A_83] : memref<128x128xf32, #tpu.memory_space<vmem>>, vector<128x128xf32>
      %dot_general3A_85 = arith.constant dense<0.000000e+00> : vector<512x128xf32>
      %dot_general3A_86 = tpu.matmul %div3A_58, %get3A_84, %dot_general3A_85 {dimension_numbers = #tpu.dot_dimension_numbers<[1], [0], [0], [1], [0, 0, 1, 1], [], []>, transpose_lhs_hint = false} : vector<512x128xf32>, vector<128x128xf32>, vector<512x128xf32> -> vector<512x128xf32>
      %get3A_87 = arith.constant 0 : index
      %get3A_88 = vector.load %arg13[%get3A_87] : memref<128xf32, #tpu.memory_space<vmem>>, vector<128xf32>
      %broadcast_in_dim3A_89 = vector.shape_cast %get3A_88 : vector<128xf32> to vector<1x128xf32>
      %add3A_90 = vector.broadcast %broadcast_in_dim3A_89 : vector<1x128xf32> to vector<512x128xf32>
      %add3A_91 = arith.addf %dot_general3A_86, %add3A_90 : vector<512x128xf32>
      %max3A_92 = arith.constant 0.000000e+00 : f32
      %max3A_93 = vector.broadcast %max3A_92 : f32 to vector<512x128xf32>
      %max3A_94 = arith.maximumf %add3A_91, %max3A_93 : vector<512x128xf32>
      %get3A_95 = arith.constant 0 : index
      %get3A_96 = arith.constant 0 : index
      %get3A_97 = vector.load %arg14[%get3A_95, %get3A_96] : memref<128x128xf32, #tpu.memory_space<vmem>>, vector<128x128xf32>
      %dot_general3A_98 = arith.constant dense<0.000000e+00> : vector<512x128xf32>
      %dot_general3A_99 = tpu.matmul %max3A_94, %get3A_97, %dot_general3A_98 {dimension_numbers = #tpu.dot_dimension_numbers<[1], [0], [0], [1], [0, 0, 1, 1], [], []>, transpose_lhs_hint = false} : vector<512x128xf32>, vector<128x128xf32>, vector<512x128xf32> -> vector<512x128xf32>
      %get3A_100 = arith.constant 0 : index
      %get3A_101 = vector.load %arg15[%get3A_100] : memref<128xf32, #tpu.memory_space<vmem>>, vector<128xf32>
      %broadcast_in_dim3A_102 = vector.shape_cast %get3A_101 : vector<128xf32> to vector<1x128xf32>
      %add3A_103 = vector.broadcast %broadcast_in_dim3A_102 : vector<1x128xf32> to vector<512x128xf32>
      %add3A_104 = arith.addf %dot_general3A_99, %add3A_103 : vector<512x128xf32>
      %slice3A = vector.extract_strided_slice %add3A_104 {offsets = [0, 0], sizes = [512, 32], strides = [1, 1]} : vector<512x128xf32> to vector<512x32xf32>
      %slice3A_105 = vector.extract_strided_slice %add3A_81 {offsets = [0, 0], sizes = [512, 1], strides = [1, 1]} : vector<512x128xf32> to vector<512x1xf32>
      %add3A_106 = vector.broadcast %slice3A_105 : vector<512x1xf32> to vector<512x32xf32>
      %add3A_107 = arith.addf %add3A_106, %slice3A : vector<512x32xf32>
      %reduce_sum3A_108 = arith.constant dense<0.000000e+00> : vector<512xf32>
      %reduce_sum3A_109 = vector.multi_reduction <add>, %slice3A, %reduce_sum3A_108 [1] : vector<512x32xf32> to vector<512xf32>
      %broadcast_in_dim3A_110 = vector.shape_cast %reduce_sum3A_109 : vector<512xf32> to vector<512x1xf32>
      %div3A_111 = arith.constant 3.200000e+01 : f32
      %div3A_112 = vector.broadcast %div3A_111 : f32 to vector<512x1xf32>
      %div3A_113 = arith.divf %broadcast_in_dim3A_110, %div3A_112 : vector<512x1xf32>
      %sub3A = vector.broadcast %div3A_113 : vector<512x1xf32> to vector<512x32xf32>
      %sub3A_114 = arith.subf %add3A_107, %sub3A : vector<512x32xf32>
      %swap3A = arith.constant 0 : index
      %swap3A_115 = arith.constant 0 : index
      %swap3A_116 = vector.load %arg16[%swap3A, %swap3A_115] : memref<512x32xf32, #tpu.memory_space<vmem>>, vector<512x32xf32>
      tpu.vector_store %arg16[%swap3A, %swap3A_115], %sub3A_114 {strides = array<i32>} : memref<512x32xf32, #tpu.memory_space<vmem>>, vector<512x32xf32>,
    } else {
    }
    return
  }
  func.func @transform_0(%arg0: i32) -> (i32, i32) {
    %c0_i32 = arith.constant 0 : i32
    %c0_i32_0 = arith.constant 0 : i32
    return %arg0, %c0_i32 : i32, i32
  }
  func.func @transform_1(%arg0: i32) -> (i32, i32) {
    %c0_i32 = arith.constant 0 : i32
    %c0_i32_0 = arith.constant 0 : i32
    return %arg0, %c0_i32 : i32, i32
  }
  func.func @transform_2(%arg0: i32) -> i32 {
    %c0_i32 = arith.constant 0 : i32
    return %arg0 : i32
  }
  func.func @transform_3(%arg0: i32) -> (i32, i32) {
    %c0_i32 = arith.constant 0 : i32
    %c0_i32_0 = arith.constant 0 : i32
    %c0_i32_1 = arith.constant 0 : i32
    return %c0_i32, %c0_i32_0 : i32, i32
  }
  func.func @transform_4(%arg0: i32) -> i32 {
    %c0_i32 = arith.constant 0 : i32
    %c0_i32_0 = arith.constant 0 : i32
    return %c0_i32 : i32
  }
  func.func @transform_5(%arg0: i32) -> (i32, i32) {
    %c0_i32 = arith.constant 0 : i32
    %c0_i32_0 = arith.constant 0 : i32
    %c0_i32_1 = arith.constant 0 : i32
    return %c0_i32, %c0_i32_0 : i32, i32
  }
  func.func @transform_6(%arg0: i32) -> i32 {
    %c0_i32 = arith.constant 0 : i32
    %c0_i32_0 = arith.constant 0 : i32
    return %c0_i32 : i32
  }
  func.func @transform_7(%arg0: i32) -> (i32, i32) {
    %c0_i32 = arith.constant 0 : i32
    %c0_i32_0 = arith.constant 0 : i32
    %c0_i32_1 = arith.constant 0 : i32
    return %c0_i32, %c0_i32_0 : i32, i32
  }
  func.func @transform_8(%arg0: i32) -> i32 {
    %c0_i32 = arith.constant 0 : i32
    %c0_i32_0 = arith.constant 0 : i32
    return %c0_i32 : i32
  }
  func.func @transform_9(%arg0: i32) -> (i32, i32) {
    %c0_i32 = arith.constant 0 : i32
    %c0_i32_0 = arith.constant 0 : i32
    %c0_i32_1 = arith.constant 0 : i32
    return %c0_i32, %c0_i32_0 : i32, i32
  }
  func.func @transform_10(%arg0: i32) -> i32 {
    %c0_i32 = arith.constant 0 : i32
    %c0_i32_0 = arith.constant 0 : i32
    return %c0_i32 : i32
  }
  func.func @transform_11(%arg0: i32) -> (i32, i32) {
    %c0_i32 = arith.constant 0 : i32
    %c0_i32_0 = arith.constant 0 : i32
    %c0_i32_1 = arith.constant 0 : i32
    return %c0_i32, %c0_i32_0 : i32, i32
  }
  func.func @transform_12(%arg0: i32) -> i32 {
    %c0_i32 = arith.constant 0 : i32
    %c0_i32_0 = arith.constant 0 : i32
    return %c0_i32 : i32
  }
  func.func @transform_13(%arg0: i32) -> (i32, i32) {
    %c0_i32 = arith.constant 0 : i32
    %c0_i32_0 = arith.constant 0 : i32
    %c0_i32_1 = arith.constant 0 : i32
    return %c0_i32, %c0_i32_0 : i32, i32
  }
  func.func @transform_14(%arg0: i32) -> i32 {
    %c0_i32 = arith.constant 0 : i32
    %c0_i32_0 = arith.constant 0 : i32
    return %c0_i32 : i32
  }
  func.func @transform_15(%arg0: i32) -> (i32, i32) {
    %c0_i32 = arith.constant 0 : i32
    %c0_i32_0 = arith.constant 0 : i32
    %c0_i32_1 = arith.constant 0 : i32
    return %c0_i32, %c0_i32_0 : i32, i32
  }
}

</mosaic_0001>

<sc_bundles>
// kernel: kernel.6.cloned.1.call-start
scs
__scs_entry_jumppad:
0x0: {  	(pc) =	sbr.rel $0x88, $3  }
0x1: {  	(tag) =	ssettag $0x0;
	lr =	simm.s32 $0x1  }
0x2: {  	[smem:$0x3F8E] =	sst lr;
	_ =	strace $0xD0000000  }
0x3: {  	_ = 	snop  }
0x4: {  	_ = 	snop  }
0x5: {  	_ = 	snop  }
0x6: {  	_ = 	snop  }
0x7: {  	_ = 	snop  }
__scs_overlays_trampoline_lowered:
0x8: {  	[smem:$0x3F9D] =	sst s0  }
0x9: {  	[smem:$0x3F9E] =	sst s1  }
0xa: {  	[smem:$0x3F9F] =	sst s2  }
0xb: {  	[smem:$0x3FA0] =	sst s3  }
0xc: {  	[smem:$0x3FA1] =	sst s4  }
0xd: {  	[smem:$0x3FA2] =	sst s5  }
0xe: {  	[smem:$0x3FA3] =	sst s6  }
0xf: {  	[smem:$0x3FA4] =	sst s7  }
0x10: {  	[smem:$0x3FA5] =	sst s8  }
0x11: {  	[smem:$0x3FA6] =	sst s9;
	s0 =	simm.s32 @!p0 $0x0  }
0x12: {  	s1 =	sld [smem:$0x3F8C];
	s0 =	simm.s32 @p0 $0x1  }
0x13: {  	[smem:$0x3FA7] =	sst s0;
	s0 =	simm.s32 @!p1 $0x0  }
0x14: {  	s2 =	sld [smem:$0x3F8B];
	s0 =	simm.s32 @p1 $0x1  }
0x15: {  	[smem:$0x3FA8] =	sst s0;
	s0 =	simm.s32 @!p2 $0x0  }
0x16: {  	s3 =	sld [smem:$0x3FDB];
	s0 =	simm.s32 @p2 $0x1  }
0x17: {  	s4 =	simm.s32 $0x1BF5;
	[smem:$0x3FAA] =	sst s0  }
0x18: {  	s0 =	sld [smem:$0x3F8D];
	_ =	swait.ge [sflag:s4], $0x0  }
0x19: {  	s7 =	sld [smem:$0x3F8E]  }
0x1a: {  	s8 =	sadd.s32 $0xFFFFE003, lr  }
0x1b: {  	s9 =	sadd.s32 $0xFFFFFEF7, lr;
	s5 =	simm.s32 $0xFFFFFFFF;
	p2 =	slt.u32 s8, $0xFFFFF086  }
0x1c: {  	p1 =	slt.u32 s9, $0xF7A;
	s5 =	simm.s32 @!p2 $0x0  }
0x1d: {  	s5 =	simm.s32 @p1 $0x1;
	p0 =	seq.s32 s7, s2  }
0x1e: {  	s7 =	smul.u32 @!p0 $0xF7A, s2;
	p2 =	seq.s32 @!p0 s5, $0x0  }
0x1f: {  	s9 =	smul.u32 $0xF7A, s1;
	s8 =	simm.s32 @!p0 $0x1BF5;
	p2 =	por !p2, p0  }
0x20: {  	[sflag:s8] =	ssyncset.s32 @!p0 $0xFFFFF086;
	s6 =	sadd.s32 @!p0 s3, s7;
	s7 =	simm.s32 @!p0 $0x108  }
0x21: {  	s3 =	sadd.s32 s3, s9;
	s6 =	sadd.s32 @!p0 $0x88, s6;
	s7 =	simm.s32 @p2 $0x1082  }
0x22: {  	[simem:s7], [sflag:s8] =	dma.local @!p0 [hbm:s6], $0xF7A  }
0x23: {  	s9 =	sor.u32 $0xD0000000, s2;
	s6 =	simm.s32 $0x108;
	_ =	swait.ge @!p0 [sflag:s8], $0x0  }
0x24: {  	s3 =	sadd.s32 $0x88, s3;
	s6 =	simm.s32 @!p1 $0x1082;
	[sflag:s4] =	ssyncset.s32 $0xFFFFF086  }
0x25: {  	[simem:s6], [sflag:s4] =	dma.local [hbm:s3], $0xF7A  }
0x26: {  	[smem:$0x3F8E] =	sst s1;
	(tag) =	ssettag s2;
	_ =	strace s9  }
0x27: {  	s1 =	sld [smem:$0x3F9E]  }
0x28: {  	s2 =	sld [smem:$0x3F9F]  }
0x29: {  	s4 =	sld [smem:$0x3FA1]  }
0x2a: {  	p0 =	seq.s32 s5, $0x0;
	s5 =	sld [smem:$0x3FA2]  }
0x2b: {  	s6 =	sld [smem:$0x3FA3]  }
0x2c: {  	s7 =	sld [smem:$0x3FA4]  }
0x2d: {  	s3 =	simm.s32 $0x108;
	s8 =	sld [smem:$0x3FA5]  }
0x2e: {  	s3 =	simm.s32 @!p0 $0x1082;
	s9 =	sld [smem:$0x3FA6]  }
0x2f: {  	lr =	sadd.s32 s0, s3;
	s0 =	sld [smem:$0x3F9D]  }
0x30: {  	s3 =	sld [smem:$0x3FA0]  }
0x31: {  	[smem:$0x3FA9] =	sst s10  }
0x32: {  	s10 =	sld [smem:$0x3FA7];
	_ =	sdelay $0x3  }
0x33: {  	p0 =	seq.s32 s10, $0x1;
	s10 =	sld [smem:$0x3FA9];
	_ =	sdelay $0x3  }
0x34: {  	[smem:$0x3FA9] =	sst s10  }
0x35: {  	s10 =	sld [smem:$0x3FA8];
	_ =	sdelay $0x3  }
0x36: {  	p1 =	seq.s32 s10, $0x1;
	s10 =	sld [smem:$0x3FA9];
	_ =	sdelay $0x3  }
0x37: {  	[smem:$0x3FA9] =	sst s10  }
0x38: {  	s10 =	sld [smem:$0x3FAA]  }
0x39: {  	_ = 	snop;
	(pc) =	sbr.ind lr, $3  }
0x3a: {  	_ = 	snop  }
0x3b: {  	_ = 	snop  }
0x3c: {  	p2 =	seq.s32 s10, $0x1;
	s10 =	sld [smem:$0x3FA9]  }
0x3d: {  	_ =	shalt  }
0x3e: {  	_ =	shalt  }
0x3f: {  	_ =	shalt  }
0x40: {  	_ =	shalt  }
0x41: {  	_ =	shalt  }
0x42: {  	_ =	shalt  }
0x43: {  	_ =	shalt  }
0x44: {  	_ =	shalt  }
0x45: {  	_ =	shalt  }
0x46: {  	_ =	shalt  }
0x47: {  	_ =	shalt  }
0x48: {  	_ =	shalt  }
0x49: {  	_ =	shalt  }
0x4a: {  	_ =	shalt  }
0x4b: {  	_ =	shalt  }
0x4c: {  	_ =	shalt  }
0x4d: {  	_ =	shalt  }
0x4e: {  	_ =	shalt  }
0x4f: {  	_ =	shalt  }
0x50: {  	_ =	shalt  }
0x51: {  	_ =	shalt  }
0x52: {  	_ =	shalt  }
0x53: {  	_ =	shalt  }
0x54: {  	_ =	shalt  }
0x55: {  	_ =	shalt  }
0x56: {  	_ =	shalt  }
0x57: {  	_ =	shalt  }
0x58: {  	_ =	shalt  }
0x59: {  	_ =	shalt  }
0x5a: {  	_ =	shalt  }
0x5b: {  	_ =	shalt  }
0x5c: {  	_ =	shalt  }
0x5d: {  	_ =	shalt  }
0x5e: {  	_ =	shalt  }
0x5f: {  	_ =	shalt  }
0x60: {  	_ =	shalt  }
0x61: {  	_ =	shalt  }
0x62: {  	_ =	shalt  }
0x63: {  	_ =	shalt  }
0x64: {  	_ =	shalt  }
0x65: {  	_ =	shalt  }
0x66: {  	_ =	shalt  }
0x67: {  	_ =	shalt  }
0x68: {  	_ =	shalt  }
0x69: {  	_ =	shalt  }
0x6a: {  	_ =	shalt  }
0x6b: {  	_ =	shalt  }
0x6c: {  	_ =	shalt  }
0x6d: {  	_ =	shalt  }
0x6e: {  	_ =	shalt  }
0x6f: {  	_ =	shalt  }
0x70: {  	_ =	shalt  }
0x71: {  	_ =	shalt  }
0x72: {  	_ =	shalt  }
0x73: {  	_ =	shalt  }
0x74: {  	_ =	shalt  }
0x75: {  	_ =	shalt  }
0x76: {  	_ =	shalt  }
0x77: {  	_ =	shalt  }
0x78: {  	_ =	shalt  }
0x79: {  	_ =	shalt  }
0x7a: {  	_ =	shalt  }
0x7b: {  	_ =	shalt  }
0x7c: {  	_ =	shalt  }
0x7d: {  	_ =	shalt  }
0x7e: {  	_ =	shalt  }
0x7f: {  	_ =	shalt  }
0x80: {  	_ =	shalt  }
0x81: {  	_ =	shalt  }
0x82: {  	_ =	shalt  }
0x83: {  	_ =	shalt  }
0x84: {  	_ =	shalt  }
0x85: {  	_ =	shalt  }
0x86: {  	_ =	shalt  }
0x87: {  	_ =	shalt  }
.Lfunc_end0:
.L_simem_size_0:
called_computation_lowered:
.L_overlay_start_0:
0x88: {  	s2 =	sld [smem:$0x3FD9]  }
0x89: {  	s3 =	sld [smem:$0x3FFE];
	_ =	sdelay $0x1  }
0x8a: {  	s1 =	srdreg.scid  }
0x8b: {  	s0 =	sand.u32 $0x1, s1  }
0x8c: {  	s16 =	sshll.u32 s0, $0xA;
	s2 =	sadd.s32 s3, s2  }
0x8d: {  	s2 =	sadd.s32 s2, s16  }
0x8e: {  	[smem:$0x3FB5] =	sst s2  }
0x8f: {  	_ = 	snop  }
0x90: {  	(tm) =	ssettm $0x1  }
0x91: {  	s17 =	sld [smem:$0x3FFB];
	_ =	sdelay $0x3  }
0x92: {  	_ =	strace s17  }
0x93: {  	s2 =	sld [smem:$0x3FFC];
	_ =	sdelay $0x3  }
0x94: {  	_ =	strace s2  }
0x95: {  	s2 =	sld [smem:$0x3FFD];
	_ =	sdelay $0x3  }
0x96: {  	_ =	strace s2  }
0x97: {  	_ =	strace $0x8FFFFFFF  }
0x98: {  	s18 =	sld [smem:$0x3FDB];
	_ =	sdelay $0x1  }
0x99: {  	s19 =	simm.s32 $_scs_section_size  }
0x9a: {  	s4 =	simm.s32 $_size__tile_overlayer_lowered;
	s5 =	simm.s32 $_tile_overlayer_lowered  }
0x9b: {  	s22 =	simm.s32 $0x1BFF;
	s21 =	sshll.u32 s5, $0x1;
	s2 =	sadd.s32 s19, s18  }
0x9c: {  	s6 =	simm.s32 $0x0;
	s20 =	sshll.u32 s4, $0x1;
	s4 =	sadd.s32 s21, s2  }
0x9d: {  	[timem:s6], [sflag:s22] =	dma.local [hbm:s4], s20  }
0x9e: {  	_ =	swait.ge [sflag:s22], s20  }
0x9f: {  	s3 =	ssub.s32 $0x0, s20;
	[sflag:s22] =	ssyncset.done $0x0  }
0xa0: {  	[sflag:s22] =	ssyncadd.s32 s3;
	_ =	sdelay $0x1  }
0xa1: {  	s23 =	simm.s32 $0x1B8B  }
0xa2: {  	_ =	swait.ge [sflag:s23], $0x1  }
0xa3: {  	[sflag:s23] =	ssyncset.done $0x0  }
0xa4: {  	s25 =	simm.s32 $0x1B8E;
	s24 =	sld [smem:$0x3FFE];
	[sflag:s23] =	ssyncadd.s32 $0xFFFFFFFF  }
0xa5: {  	s26 =	simm.s32 $execute0_lowered;
	[smem:$0x3FD2] =	sst s25  }
0xa6: {  	s4 =	sshll.u32 s26, $0x1;
	_ =	strace $0x80000046;
	[dreg:$0x1] =	wrdreg $0xFFFFFFFF  }
0xa7: {  	s28 =	simm.s32 $_size_execute0_lowered;
	s2 =	sadd.s32 s2, s4;
	[dreg:$0x0] =	wrdreg $0x0  }
0xa8: {  	s4 =	sshll.u32 s28, $0x1;
	[dreg:$0x2] =	wrdreg s2  }
0xa9: {  	[dreg:$0x3] =	wrdreg s4  }
0xaa: {  	[dreg:$0x4] =	wrdreg $0xC0  }
0xab: {  	_ =	task [dreg:s6], $0x5FFFF  }
0xac: {  	[dreg:$0x1] =	wrdreg $0xFFFFFFFF  }
0xad: {  	[dreg:$0x0] =	wrdreg $0x60  }
0xae: {  	[dreg:$0x2] =	wrdreg s24  }
0xaf: {  	[dreg:$0x3] =	wrdreg $0xB3000  }
0xb0: {  	[dreg:$0x4] =	wrdreg $0x9  }
0xb1: {  	_ =	task.clear_ibuf [dreg:s6], $0x5FFFF;
	_ =	strace $0x90000046  }
0xb2: {  	s29 =	simm.s32 $0x9;
	_ =	strace $0x80000048  }
0xb3: {  	_ =	swait.ge [sflag:s29], $0x1  }
0xb4: {  	[sflag:s29] =	ssyncadd.s32 $0xFFFFFFFF  }
0xb5: {  	_ =	strace $0x90000048  }
0xb6: {  	_ =	sfence  }
0xb7: {  	s30 =	sld [smem:$0x0];
	_ =	sdelay $0x2  }
0xb8: {  	s31 =	sshll.u32 s1, $0xD;
	s1 =	sshrl.u32 s1, $0x2  }
0xb9: {  	s3 =	sand.u32 $0x4000, s31;
	s1 =	sadd.s32 s1, s30  }
0xba: {  	s0 =	sor.u32 s3, s0;
	s1 =	sshll.u32 s1, $0x11  }
0xbb: {  	s0 =	sor.u32 s1, s0  }
0xbc: {  	s0 =	sadd.s32 $0x8F2B, s0  }
0xbd: {  	[sflag:s0] =	ssyncadd.remote.s32 $0x1  }
0xbe: {  	_ =	sfence.sel $0xFFFF  }
0xbf: {  	[dreg:$0x0] =	wrdreg $0xFFFFFFFF;
	(pc) =	sbr.abs _section_cstart, $3  }
0xc0: {  	[dreg:$0x1] =	wrdreg $0xFFFFFFFF  }
0xc1: {  	_ =	task.clear_ibuf [dreg:s6], $0x2FFFF;
	_ =	strace $0x9FFFFFFF  }
0xc2: {  	(tm) =	ssettm $0x7FFFFFFF  }
0xc3: {  	_ =	shalt  }
tec
execute0_lowered:
.L_overlay_start_1:
0x0: {  	(tag) =	ssettag $0x1  }
0x1: {  	s0 =	srdreg.scid  }
0x2: {  	s14 =	stileid.u32;
	s5 =	rddreg [dreg:$0x0]  }
0x3: {  	s2 =	rddreg [dreg:$0x1];
	s3 =	simm.s32 $0x0;
	s16 =	simm.s32 $0x28  }
0x4: {  	s17 =	simm.s32 $0x4F00;
	s18 =	simm.s32 $0x6300;
	s20 =	simm.s32 $0x7700  }
0x5: {  	s22 =	simm.s32 $0x8B00;
	s23 =	simm.s32 $0x9F00;
	s28 =	simm.s32 $0x3  }
0x6: {  	s29 =	simm.s32 $0x4;
	s30 =	simm.s32 $0x5;
	s31 =	simm.s32 $0x0  }
0x7: {  	s0 =	sand.u32 $0x1, s0;
	s4 =	sshll.u32 s14, $0x7;
	s7 =	smul.u32 $0x14000, s14  }
0x8: {  	[smem:$0x7FF] =	sst s3;
	s10 =	sadd.s32 $0x3D800, s5;
	s8 =	smul.u32 $0x50000, s14  }
0x9: {  	s11 =	smul.u32 $0x2800, s14;
	s26 =	sshll.u32 s14, $0x6;
	s1 =	sshll.u32 s0, $0x4  }
0xa: {  	s4 =	sand.u32 $0x380, s4;
	s6 =	smul.u32 $0x140000, s0;
	_ =	strace $0x80000047  }
0xb: {  	s24 =	ssub.s32 $0x2, s0;
	p0 =	sne.s32 s0, $0x0;
	s1 =	sor.u32 s14, s1  }
0xc: {  	s9 =	sshrl.u32 s24, $0x1;
	s25 =	sshrl.u32 s8, $0x2;
	s14 =	simm.s32 $0x400  }
0xd: {  	s1 =	sshrl.u32 s1, $0x3;
	s6 =	sadd.s32 s7, s6;
	s9 =	ssub.s32 s24, s9  }
0xe: {  	s13 =	sadd.s32 s25, s2;
	s24 =	simm.s32 $0x1;
	s1 =	smul.u32 $0x13C00, s1  }
0xf: {  	s25 =	simm.s32 $0x7;
	s6 =	sshrl.u32 s6, $0x3;
	s9 =	smax.u32 s9, $0x1  }
0x10: {  	s12 =	sadd.s32 s6, s5;
	s1 =	sor.u32 s4, s1;
	s4 =	sadd.s32 $0x15800, s5  }
0x11: {  	s8 =	sadd.s32 $0x40000, s12;
	s12 =	simm.s32 $0x6;
	s1 =	sshrl.u32 s1, $0x3  }
0x12: {  	s1 =	sadd.s32 s1, s5;
	s5 =	sadd.s32 s4, s11;
	s11 =	sshrl.u32 s13, $0x3  }
0x13: {  	s13 =	simm.s32 $0x80;
	s6 =	sadd.s32 $0x1C00, s1;
	s7 =	sadd.s32 $0xBA00, s1  }
0x14: {  	s5 =	smov.u32 @p0 s10;
	s10 =	sor.u32 $0x1C06, s26;
	s26 =	simm.s32 $0x2  }
.LBB2_1:
0x15: {  	[spmem:s11], [sflag:s10] =	dma.local [hbm:s5], $0x2800  }
0x16: {  	_ =	swait.ge [sflag:s12], $0x2800  }
0x17: {  	[sflag:s12] =	ssyncset.done $0x0  }
0x18: {  	[sflag:s12] =	ssyncadd.s32 $0xFFFFD800  }
0x19: {  	[tilespmem:s3], [sflag:$0x6] =	stream.strided.gather [hbm4b:s6+s13], $0x2780, s14, s13, $0x38;
	[tilespmem:$0x1F300] =	vst v63  }
0x1a: {  	_ =	swait.ge [sflag:s12], $0x2780  }
0x1b: {  	[sflag:s12] =	ssyncset.done $0x0  }
0x1c: {  	s0 =	simm.s32 $0x2780;
	[sflag:s12] =	ssyncadd.s32 $0xFFFFD880  }
0x1d: {  	[tilespmem:s0], [sflag:$0x6] =	stream.strided.gather [hbm4b:s7+s13], $0x2780, s14, s13, $0x38;
	[tilespmem:$0x1F300] =	vst v63  }
0x1e: {  	_ =	swait.ge [sflag:s12], $0x2780  }
0x1f: {  	[sflag:s12] =	ssyncset.done $0x0  }
0x20: {  	[sflag:s12] =	ssyncadd.s32 $0xFFFFD880  }
0x21: {  	[bflag:$0x0] =	sbarrier.arrive $0xFFFF  }
0x22: {  	[tilespmem:s17], [sflag:$0x1] =	stream.indirect.gather [hbm4b:s4+s16], $0x80, s3, s16, $0xb8;
	[tilespmem:$0x1F300] =	vst v63  }
0x23: {  	_ = 	snop  }
0x24: {  	[tilespmem:s18], [sflag:$0x2] =	stream.indirect.gather [hbm4b:s4+s16], $0x80, s16, s16, $0xb8;
	[tilespmem:$0x1F300] =	vst v63  }
0x25: {  	s1 =	simm.s32 $0x50  }
0x26: {  	[tilespmem:s20], [sflag:$0x3] =	stream.indirect.gather [hbm4b:s4+s16], $0x80, s1, s16, $0xb8;
	[tilespmem:$0x1F300] =	vst v63  }
0x27: {  	s15 =	simm.s32 $0x78  }
0x28: {  	[tilespmem:s22], [sflag:$0x4] =	stream.indirect.gather [hbm4b:s4+s16], $0x80, s15, s16, $0xb8;
	[tilespmem:$0x1F300] =	vst v63  }
0x29: {  	s19 =	simm.s32 $0xA0  }
0x2a: {  	[tilespmem:s23], [sflag:$0x5] =	stream.indirect.gather [hbm4b:s4+s16], $0x80, s19, s16, $0xb8;
	[tilespmem:$0x1F300] =	vst v63  }
0x2b: {  	_ =	swait.ge [sflag:s24], $0x1400  }
0x2c: {  	[sflag:s24] =	ssyncset.done $0x0  }
0x2d: {  	s21 =	simm.s32 $0x2780;
	[sflag:s24] =	ssyncadd.s32 $0xFFFFEC00  }
0x2e: {  	[spmem:s2] =	stream.indirect.scatter.add.f32 [tilespmem:s17], [sflag:$0x7], $0x80, s21, s16, $0xb8;
	[tilespmem:$0x1F300] =	vst v63  }
0x2f: {  	_ =	swait.ge [sflag:s25], $0x1400  }
0x30: {  	[sflag:s25] =	ssyncset.done $0x0  }
0x31: {  	s1 =	simm.s32 $0xC8;
	[sflag:s25] =	ssyncadd.s32 $0xFFFFEC00  }
0x32: {  	[tilespmem:s17], [sflag:$0x1] =	stream.indirect.gather [hbm4b:s4+s16], $0x80, s1, s16, $0xb8;
	[tilespmem:$0x1F300] =	vst v63  }
0x33: {  	_ =	swait.ge [sflag:s26], $0x1400  }
0x34: {  	[sflag:s26] =	ssyncset.done $0x0  }
0x35: {  	s15 =	simm.s32 $0x27A8;
	[sflag:s26] =	ssyncadd.s32 $0xFFFFEC00  }
0x36: {  	[spmem:s2] =	stream.indirect.scatter.add.f32 [tilespmem:s18], [sflag:$0x7], $0x80, s15, s16, $0xb8;
	[tilespmem:$0x1F300] =	vst v63  }
0x37: {  	_ =	swait.ge [sflag:s25], $0x1400  }
0x38: {  	[sflag:s25] =	ssyncset.done $0x0  }
0x39: {  	s19 =	simm.s32 $0xF0;
	[sflag:s25] =	ssyncadd.s32 $0xFFFFEC00  }
0x3a: {  	[tilespmem:s18], [sflag:$0x2] =	stream.indirect.gather [hbm4b:s4+s16], $0x80, s19, s16, $0xb8;
	[tilespmem:$0x1F300] =	vst v63  }
0x3b: {  	_ =	swait.ge [sflag:s28], $0x1400  }
0x3c: {  	[sflag:s28] =	ssyncset.done $0x0  }
0x3d: {  	s21 =	simm.s32 $0x27D0;
	[sflag:s28] =	ssyncadd.s32 $0xFFFFEC00  }
0x3e: {  	[spmem:s2] =	stream.indirect.scatter.add.f32 [tilespmem:s20], [sflag:$0x7], $0x80, s21, s16, $0xb8;
	[tilespmem:$0x1F300] =	vst v63  }
0x3f: {  	_ =	swait.ge [sflag:s25], $0x1400  }
0x40: {  	[sflag:s25] =	ssyncset.done $0x0  }
0x41: {  	s1 =	simm.s32 $0x118;
	[sflag:s25] =	ssyncadd.s32 $0xFFFFEC00  }
0x42: {  	[tilespmem:s20], [sflag:$0x3] =	stream.indirect.gather [hbm4b:s4+s16], $0x80, s1, s16, $0xb8;
	[tilespmem:$0x1F300] =	vst v63  }
0x43: {  	_ =	swait.ge [sflag:s29], $0x1400  }
0x44: {  	[sflag:s29] =	ssyncset.done $0x0  }
0x45: {  	s15 =	simm.s32 $0x27F8;
	[sflag:s29] =	ssyncadd.s32 $0xFFFFEC00  }
0x46: {  	[spmem:s2] =	stream.indirect.scatter.add.f32 [tilespmem:s22], [sflag:$0x7], $0x80, s15, s16, $0xb8;
	[tilespmem:$0x1F300] =	vst v63  }
0x47: {  	_ =	swait.ge [sflag:s25], $0x1400  }
0x48: {  	[sflag:s25] =	ssyncset.done $0x0  }
0x49: {  	s19 =	simm.s32 $0x140;
	[sflag:s25] =	ssyncadd.s32 $0xFFFFEC00  }
0x4a: {  	[tilespmem:s22], [sflag:$0x4] =	stream.indirect.gather [hbm4b:s4+s16], $0x80, s19, s16, $0xb8;
	[tilespmem:$0x1F300] =	vst v63  }
0x4b: {  	_ =	swait.ge [sflag:s30], $0x1400  }
0x4c: {  	[sflag:s30] =	ssyncset.done $0x0  }
0x4d: {  	s21 =	simm.s32 $0x2820;
	[sflag:s30] =	ssyncadd.s32 $0xFFFFEC00  }
0x4e: {  	[spmem:s2] =	stream.indirect.scatter.add.f32 [tilespmem:s23], [sflag:$0x6], $0x80, s21, s16, $0xb8;
	[tilespmem:$0x1F300] =	vst v63  }
0x4f: {  	_ =	swait.ge [sflag:s12], $0x1400  }
0x50: {  	s0 =	simm.s32 $0x640;
	s1 =	simm.s32 $0xC8;
	[sflag:s12] =	ssyncset.done $0x0  }
.LBB2_2:
0x51: {  	s21 =	sadd.s32 $0xA0, s1  }
0x52: {  	[sflag:s12] =	ssyncadd.s32 $0xFFFFEC00;
	s15 =	smov.u32 s0;
	s19 =	sadd.s32 $0x320, s0  }
0x53: {  	[tilespmem:s23], [sflag:$0x5] =	stream.indirect.gather [hbm4b:s4+s16], $0x80, s21, s16, $0xb8;
	[tilespmem:$0x1F300] =	vst v63  }
0x54: {  	p0 =	sne.s32 s0, $0x9600;
	_ =	swait.ge [sflag:s24], $0x1400  }
0x55: {  	[sflag:s24] =	ssyncset.done $0x0  }
0x56: {  	s0 =	sadd.s32 $0x2780, s1;
	[sflag:s24] =	ssyncadd.s32 $0xFFFFEC00  }
0x57: {  	[spmem:s2] =	stream.indirect.scatter.add.f32 [tilespmem:s17], [sflag:$0x7], $0x80, s0, s16, $0xb8;
	[tilespmem:$0x1F300] =	vst v63  }
0x58: {  	_ =	swait.ge [sflag:s25], $0x1400  }
0x59: {  	[sflag:s25] =	ssyncset.done $0x0  }
0x5a: {  	s0 =	sadd.s32 $0xC8, s1;
	[sflag:s25] =	ssyncadd.s32 $0xFFFFEC00  }
0x5b: {  	[tilespmem:s17], [sflag:$0x1] =	stream.indirect.gather [hbm4b:s4+s16], $0x80, s0, s16, $0xb8;
	[tilespmem:$0x1F300] =	vst v63  }
0x5c: {  	_ =	swait.ge [sflag:s26], $0x1400  }
0x5d: {  	[sflag:s26] =	ssyncset.done $0x0  }
0x5e: {  	s0 =	sadd.s32 $0x27A8, s1;
	[sflag:s26] =	ssyncadd.s32 $0xFFFFEC00  }
0x5f: {  	[spmem:s2] =	stream.indirect.scatter.add.f32 [tilespmem:s18], [sflag:$0x7], $0x80, s0, s16, $0xb8;
	[tilespmem:$0x1F300] =	vst v63  }
0x60: {  	_ =	swait.ge [sflag:s25], $0x1400  }
0x61: {  	[sflag:s25] =	ssyncset.done $0x0  }
0x62: {  	s0 =	sadd.s32 $0xF0, s1;
	[sflag:s25] =	ssyncadd.s32 $0xFFFFEC00  }
0x63: {  	[tilespmem:s18], [sflag:$0x2] =	stream.indirect.gather [hbm4b:s4+s16], $0x80, s0, s16, $0xb8;
	[tilespmem:$0x1F300] =	vst v63  }
0x64: {  	_ =	swait.ge [sflag:s28], $0x1400  }
0x65: {  	[sflag:s28] =	ssyncset.done $0x0  }
0x66: {  	s0 =	sadd.s32 $0x27D0, s1;
	[sflag:s28] =	ssyncadd.s32 $0xFFFFEC00  }
0x67: {  	[spmem:s2] =	stream.indirect.scatter.add.f32 [tilespmem:s20], [sflag:$0x7], $0x80, s0, s16, $0xb8;
	[tilespmem:$0x1F300] =	vst v63  }
0x68: {  	_ =	swait.ge [sflag:s25], $0x1400  }
0x69: {  	[sflag:s25] =	ssyncset.done $0x0  }
0x6a: {  	s0 =	sadd.s32 $0x118, s1;
	[sflag:s25] =	ssyncadd.s32 $0xFFFFEC00  }
0x6b: {  	[tilespmem:s20], [sflag:$0x3] =	stream.indirect.gather [hbm4b:s4+s16], $0x80, s0, s16, $0xb8;
	[tilespmem:$0x1F300] =	vst v63  }
0x6c: {  	_ =	swait.ge [sflag:s29], $0x1400  }
0x6d: {  	[sflag:s29] =	ssyncset.done $0x0  }
0x6e: {  	s0 =	sadd.s32 $0x27F8, s1;
	[sflag:s29] =	ssyncadd.s32 $0xFFFFEC00  }
0x6f: {  	[spmem:s2] =	stream.indirect.scatter.add.f32 [tilespmem:s22], [sflag:$0x7], $0x80, s0, s16, $0xb8;
	[tilespmem:$0x1F300] =	vst v63  }
0x70: {  	_ =	swait.ge [sflag:s25], $0x1400  }
0x71: {  	[sflag:s25] =	ssyncset.done $0x0  }
0x72: {  	s0 =	sadd.s32 $0x140, s1;
	[sflag:s25] =	ssyncadd.s32 $0xFFFFEC00  }
0x73: {  	[tilespmem:s22], [sflag:$0x4] =	stream.indirect.gather [hbm4b:s4+s16], $0x80, s0, s16, $0xb8;
	[tilespmem:$0x1F300] =	vst v63  }
0x74: {  	_ =	swait.ge [sflag:s30], $0x1400  }
.Ltmp0:
0x75: {  	[sflag:s30] =	ssyncset.done $0x0;
	(pc) =	sbr.rel @p0 .LBB2_2-.Ltmp0, $4  }
0x76: {  	s0 =	sadd.s32 $0x2820, s1;
	[sflag:s30] =	ssyncadd.s32 $0xFFFFEC00  }
0x77: {  	[spmem:s2] =	stream.indirect.scatter.add.f32 [tilespmem:s23], [sflag:$0x6], $0x80, s0, s16, $0xb8;
	[tilespmem:$0x1F300] =	vst v63  }
0x78: {  	_ =	swait.ge [sflag:s12], $0x1400  }
0x79: {  	s1 =	sshra.s32 s15, $0x2;
	s0 =	smov.u32 s19;
	[sflag:s12] =	ssyncset.done $0x0  }
0x7a: {  	s0 =	sadd.s32 $0xA0, s1;
	[sflag:s12] =	ssyncadd.s32 $0xFFFFEC00  }
0x7b: {  	[tilespmem:s23], [sflag:$0x5] =	stream.indirect.gather [hbm4b:s4+s16], $0x80, s0, s16, $0xb8;
	[tilespmem:$0x1F300] =	vst v63  }
0x7c: {  	_ =	swait.ge [sflag:s24], $0x1400  }
0x7d: {  	[sflag:s24] =	ssyncset.done $0x0  }
0x7e: {  	s19 =	sadd.s32 $0x2780, s1;
	[sflag:s24] =	ssyncadd.s32 $0xFFFFEC00  }
0x7f: {  	[spmem:s2] =	stream.indirect.scatter.add.f32 [tilespmem:s17], [sflag:$0x7], $0x80, s19, s16, $0xb8;
	[tilespmem:$0x1F300] =	vst v63  }
0x80: {  	_ =	swait.ge [sflag:s25], $0x1400  }
0x81: {  	[sflag:s25] =	ssyncset.done $0x0  }
0x82: {  	s21 =	sadd.s32 $0xC8, s1;
	[sflag:s25] =	ssyncadd.s32 $0xFFFFEC00  }
0x83: {  	[tilespmem:s17], [sflag:$0x1] =	stream.indirect.gather [hbm4b:s4+s16], $0x80, s21, s16, $0xb8;
	[tilespmem:$0x1F300] =	vst v63  }
0x84: {  	_ =	swait.ge [sflag:s26], $0x1400  }
0x85: {  	[sflag:s26] =	ssyncset.done $0x0  }
0x86: {  	s15 =	sadd.s32 $0x27A8, s1;
	[sflag:s26] =	ssyncadd.s32 $0xFFFFEC00  }
0x87: {  	[spmem:s2] =	stream.indirect.scatter.add.f32 [tilespmem:s18], [sflag:$0x7], $0x80, s15, s16, $0xb8;
	[tilespmem:$0x1F300] =	vst v63  }
0x88: {  	_ =	swait.ge [sflag:s25], $0x1400  }
0x89: {  	[sflag:s25] =	ssyncset.done $0x0  }
0x8a: {  	s19 =	sadd.s32 $0xF0, s1;
	[sflag:s25] =	ssyncadd.s32 $0xFFFFEC00  }
0x8b: {  	[tilespmem:s18], [sflag:$0x2] =	stream.indirect.gather [hbm4b:s4+s16], $0x80, s19, s16, $0xb8;
	[tilespmem:$0x1F300] =	vst v63  }
0x8c: {  	_ =	swait.ge [sflag:s28], $0x1400  }
0x8d: {  	[sflag:s28] =	ssyncset.done $0x0  }
0x8e: {  	s21 =	sadd.s32 $0x27D0, s1;
	[sflag:s28] =	ssyncadd.s32 $0xFFFFEC00  }
0x8f: {  	[spmem:s2] =	stream.indirect.scatter.add.f32 [tilespmem:s20], [sflag:$0x7], $0x80, s21, s16, $0xb8;
	[tilespmem:$0x1F300] =	vst v63  }
0x90: {  	_ =	swait.ge [sflag:s25], $0x1400  }
0x91: {  	[sflag:s25] =	ssyncset.done $0x0  }
0x92: {  	s15 =	sadd.s32 $0x118, s1;
	[sflag:s25] =	ssyncadd.s32 $0xFFFFEC00  }
0x93: {  	[tilespmem:s20], [sflag:$0x3] =	stream.indirect.gather [hbm4b:s4+s16], $0x80, s15, s16, $0xb8;
	[tilespmem:$0x1F300] =	vst v63  }
0x94: {  	_ =	swait.ge [sflag:s29], $0x1400  }
0x95: {  	[sflag:s29] =	ssyncset.done $0x0  }
0x96: {  	s19 =	sadd.s32 $0x27F8, s1;
	[sflag:s29] =	ssyncadd.s32 $0xFFFFEC00  }
0x97: {  	[spmem:s2] =	stream.indirect.scatter.add.f32 [tilespmem:s22], [sflag:$0x7], $0x80, s19, s16, $0xb8;
	[tilespmem:$0x1F300] =	vst v63  }
0x98: {  	_ =	swait.ge [sflag:s25], $0x1400  }
0x99: {  	[sflag:s25] =	ssyncset.done $0x0  }
0x9a: {  	s21 =	sadd.s32 $0x140, s1;
	[sflag:s25] =	ssyncadd.s32 $0xFFFFEC00  }
0x9b: {  	[tilespmem:s22], [sflag:$0x4] =	stream.indirect.gather [hbm4b:s4+s16], $0x80, s21, s16, $0xb8;
	[tilespmem:$0x1F300] =	vst v63  }
0x9c: {  	_ =	swait.ge [sflag:s30], $0x1400  }
0x9d: {  	[sflag:s30] =	ssyncset.done $0x0  }
0x9e: {  	s15 =	sadd.s32 $0x2820, s1;
	[sflag:s30] =	ssyncadd.s32 $0xFFFFEC00  }
0x9f: {  	[spmem:s2] =	stream.indirect.scatter.add.f32 [tilespmem:s23], [sflag:$0x6], $0x80, s15, s16, $0xb8;
	[tilespmem:$0x1F300] =	vst v63  }
0xa0: {  	_ =	swait.ge [sflag:s12], $0x1400  }
0xa1: {  	[sflag:s12] =	ssyncset.done $0x0  }
0xa2: {  	s19 =	simm.s32 $0x26E8;
	[sflag:s12] =	ssyncadd.s32 $0xFFFFEC00  }
0xa3: {  	[tilespmem:s23], [sflag:$0x5] =	stream.indirect.gather [hbm4b:s4+s16], $0x80, s19, s16, $0xb8;
	[tilespmem:$0x1F300] =	vst v63  }
0xa4: {  	_ =	swait.ge [sflag:s24], $0x1400  }
0xa5: {  	[sflag:s24] =	ssyncset.done $0x0  }
0xa6: {  	s21 =	simm.s32 $0x4DC8;
	[sflag:s24] =	ssyncadd.s32 $0xFFFFEC00  }
0xa7: {  	[spmem:s2] =	stream.indirect.scatter.add.f32 [tilespmem:s17], [sflag:$0x7], $0x80, s21, s16, $0xb8;
	[tilespmem:$0x1F300] =	vst v63  }
0xa8: {  	_ =	swait.ge [sflag:s25], $0x1400  }
0xa9: {  	[sflag:s25] =	ssyncset.done $0x0  }
0xaa: {  	[sflag:s25] =	ssyncadd.s32 $0xFFFFEC00  }
0xab: {  	_ =	swait.ge [sflag:s26], $0x1400  }
0xac: {  	[sflag:s26] =	ssyncset.done $0x0  }
0xad: {  	s1 =	simm.s32 $0x4DF0;
	[sflag:s26] =	ssyncadd.s32 $0xFFFFEC00  }
0xae: {  	[spmem:s2] =	stream.indirect.scatter.add.f32 [tilespmem:s18], [sflag:$0x7], $0x80, s1, s16, $0xb8;
	[tilespmem:$0x1F300] =	vst v63  }
0xaf: {  	_ =	swait.ge [sflag:s25], $0x1400  }
0xb0: {  	[sflag:s25] =	ssyncset.done $0x0  }
0xb1: {  	[sflag:s25] =	ssyncadd.s32 $0xFFFFEC00  }
0xb2: {  	_ =	swait.ge [sflag:s28], $0x1400  }
0xb3: {  	[sflag:s28] =	ssyncset.done $0x0  }
0xb4: {  	s15 =	simm.s32 $0x4E18;
	[sflag:s28] =	ssyncadd.s32 $0xFFFFEC00  }
0xb5: {  	[spmem:s2] =	stream.indirect.scatter.add.f32 [tilespmem:s20], [sflag:$0x7], $0x80, s15, s16, $0xb8;
	[tilespmem:$0x1F300] =	vst v63  }
0xb6: {  	_ =	swait.ge [sflag:s25], $0x1400  }
0xb7: {  	[sflag:s25] =	ssyncset.done $0x0  }
0xb8: {  	[sflag:s25] =	ssyncadd.s32 $0xFFFFEC00  }
0xb9: {  	_ =	swait.ge [sflag:s29], $0x1400  }
0xba: {  	[sflag:s29] =	ssyncset.done $0x0  }
0xbb: {  	s19 =	simm.s32 $0x4E40;
	[sflag:s29] =	ssyncadd.s32 $0xFFFFEC00  }
0xbc: {  	[spmem:s2] =	stream.indirect.scatter.add.f32 [tilespmem:s22], [sflag:$0x7], $0x80, s19, s16, $0xb8;
	[tilespmem:$0x1F300] =	vst v63  }
0xbd: {  	_ =	swait.ge [sflag:s25], $0x1400  }
0xbe: {  	[sflag:s25] =	ssyncset.done $0x0  }
0xbf: {  	[sflag:s25] =	ssyncadd.s32 $0xFFFFEC00  }
0xc0: {  	_ =	swait.ge [sflag:s30], $0x1400  }
0xc1: {  	[sflag:s30] =	ssyncset.done $0x0  }
0xc2: {  	s21 =	simm.s32 $0x4E68;
	[sflag:s30] =	ssyncadd.s32 $0xFFFFEC00  }
0xc3: {  	[spmem:s2] =	stream.indirect.scatter.add.f32 [tilespmem:s23], [sflag:$0x6], $0x80, s21, s16, $0xb8;
	[tilespmem:$0x1F300] =	vst v63  }
0xc4: {  	_ =	swait.ge [sflag:s12], $0x1400  }
0xc5: {  	s31 =	sadd.s32 $0x1, s31;
	[sflag:s12] =	ssyncset.done $0x0  }
0xc6: {  	p0 =	sne.s32 s31, s9;
	[sflag:s12] =	ssyncadd.s32 $0xFFFFEC00  }
.Ltmp1:
0xc7: {  	[bflag:$0x0] =	sbarrier.arrive $0xFFFF;
	(pc) =	sbr.rel @p0 .LBB2_1-.Ltmp1, $4  }
0xc8: {  	[hbm:s8], [sflag:s10] =	dma.local [spmem:s11], $0x2800  }
0xc9: {  	_ =	swait.ge [sflag:s12], $0x2800  }
0xca: {  	[sflag:s12] =	ssyncset.done $0x0  }
0xcb: {  	[sflag:s12] =	ssyncadd.s32 $0xFFFFD800  }
0xcc: {  	_ =	sfence.sel $0x180000  }
0xcd: {  	[bflag:$0x0] =	sbarrier.arrive $0xFFFF  }
0xce: {  	_ =	strace $0x90000047  }
0xcf: {  	s0 =	stileid.u32;
	[bflag:$0x2] =	sbarrier.arrive $0xFFFF  }
0xd0: {  	p0 =	sne.s32 s0, $0x0;
	s0 =	rddreg [dreg:$0x2]  }
0xd1: {  	s0 =	sadd.s32 @!p0 $0x100000, s0  }
0xd2: {  	[sflag:s0] =	ssyncadd.tile.s32 @!p0 $0x1;
	_ =	shalt  }
.Lfunc_end2:
_tile_overlayer_lowered:
.L_overlay_start_2:
0xd3: {  	(tag) =	ssettag $0x2  }
0xd4: {  	s0 =	rddreg [dreg:$0x0];
	s2 =	stileid.u32  }
0xd5: {  	s1 =	rddreg [dreg:$0x1];
	p0 =	sne.s32 s2, $0x0  }
0xd6: {  	s3 =	rddreg [dreg:$0x2];
	[bflag:$0x3] =	sbarrier.arrive $0xFFFF;
	s2 =	simm.s32 @!p0 $0x1C06  }
0xd7: {  	[timem:s3], [sflag:s2] =	dma.local @!p0 [hbm:s0], s1  }
0xd8: {  	s0 =	simm.s32 @!p0 $0x6  }
0xd9: {  	_ =	swait.ge @!p0 [sflag:s0], s1  }
0xda: {  	s1 =	ssub.s32 @!p0 $0x0, s1;
	[sflag:s0] =	ssyncset.done @!p0 $0x0  }
0xdb: {  	[sflag:s0] =	ssyncadd.s32 @!p0 s1  }
0xdc: {  	[bflag:$0x3] =	sbarrier.arrive $0xFFFF  }
0xdd: {  	_ =	shalt  }

// kernel: kernel.9.cloned.1.call-start
scs
__scs_entry_jumppad:
0x0: {  	(pc) =	sbr.rel $0x88, $3  }
0x1: {  	(tag) =	ssettag $0x0;
	lr =	simm.s32 $0x1  }
0x2: {  	[smem:$0x3F8E] =	sst lr;
	_ =	strace $0xD0000000  }
0x3: {  	_ = 	snop  }
0x4: {  	_ = 	snop  }
0x5: {  	_ = 	snop  }
0x6: {  	_ = 	snop  }
0x7: {  	_ = 	snop  }
__scs_overlays_trampoline_lowered:
0x8: {  	[smem:$0x3F9D] =	sst s0  }
0x9: {  	[smem:$0x3F9E] =	sst s1  }
0xa: {  	[smem:$0x3F9F] =	sst s2  }
0xb: {  	[smem:$0x3FA0] =	sst s3  }
0xc: {  	[smem:$0x3FA1] =	sst s4  }
0xd: {  	[smem:$0x3FA2] =	sst s5  }
0xe: {  	[smem:$0x3FA3] =	sst s6  }
0xf: {  	[smem:$0x3FA4] =	sst s7  }
0x10: {  	[smem:$0x3FA5] =	sst s8  }
0x11: {  	[smem:$0x3FA6] =	sst s9;
	s0 =	simm.s32 @!p0 $0x0  }
0x12: {  	s1 =	sld [smem:$0x3F8C];
	s0 =	simm.s32 @p0 $0x1  }
0x13: {  	[smem:$0x3FA7] =	sst s0;
	s0 =	simm.s32 @!p1 $0x0  }
0x14: {  	s2 =	sld [smem:$0x3F8B];
	s0 =	simm.s32 @p1 $0x1  }
0x15: {  	[smem:$0x3FA8] =	sst s0;
	s0 =	simm.s32 @!p2 $0x0  }
0x16: {  	s3 =	sld [smem:$0x3FDB];
	s0 =	simm.s32 @p2 $0x1  }
0x17: {  	s4 =	simm.s32 $0x1BF5;
	[smem:$0x3FAA] =	sst s0  }
0x18: {  	s0 =	sld [smem:$0x3F8D];
	_ =	swait.ge [sflag:s4], $0x0  }
0x19: {  	s7 =	sld [smem:$0x3F8E]  }
0x1a: {  	s8 =	sadd.s32 $0xFFFFE003, lr  }
0x1b: {  	s9 =	sadd.s32 $0xFFFFFEF7, lr;
	s5 =	simm.s32 $0xFFFFFFFF;
	p2 =	slt.u32 s8, $0xFFFFF086  }
0x1c: {  	p1 =	slt.u32 s9, $0xF7A;
	s5 =	simm.s32 @!p2 $0x0  }
0x1d: {  	s5 =	simm.s32 @p1 $0x1;
	p0 =	seq.s32 s7, s2  }
0x1e: {  	s7 =	smul.u32 @!p0 $0xF7A, s2;
	p2 =	seq.s32 @!p0 s5, $0x0  }
0x1f: {  	s9 =	smul.u32 $0xF7A, s1;
	s8 =	simm.s32 @!p0 $0x1BF5;
	p2 =	por !p2, p0  }
0x20: {  	[sflag:s8] =	ssyncset.s32 @!p0 $0xFFFFF086;
	s6 =	sadd.s32 @!p0 s3, s7;
	s7 =	simm.s32 @!p0 $0x108  }
0x21: {  	s3 =	sadd.s32 s3, s9;
	s6 =	sadd.s32 @!p0 $0x88, s6;
	s7 =	simm.s32 @p2 $0x1082  }
0x22: {  	[simem:s7], [sflag:s8] =	dma.local @!p0 [hbm:s6], $0xF7A  }
0x23: {  	s9 =	sor.u32 $0xD0000000, s2;
	s6 =	simm.s32 $0x108;
	_ =	swait.ge @!p0 [sflag:s8], $0x0  }
0x24: {  	s3 =	sadd.s32 $0x88, s3;
	s6 =	simm.s32 @!p1 $0x1082;
	[sflag:s4] =	ssyncset.s32 $0xFFFFF086  }
0x25: {  	[simem:s6], [sflag:s4] =	dma.local [hbm:s3], $0xF7A  }
0x26: {  	[smem:$0x3F8E] =	sst s1;
	(tag) =	ssettag s2;
	_ =	strace s9  }
0x27: {  	s1 =	sld [smem:$0x3F9E]  }
0x28: {  	s2 =	sld [smem:$0x3F9F]  }
0x29: {  	s4 =	sld [smem:$0x3FA1]  }
0x2a: {  	p0 =	seq.s32 s5, $0x0;
	s5 =	sld [smem:$0x3FA2]  }
0x2b: {  	s6 =	sld [smem:$0x3FA3]  }
0x2c: {  	s7 =	sld [smem:$0x3FA4]  }
0x2d: {  	s3 =	simm.s32 $0x108;
	s8 =	sld [smem:$0x3FA5]  }
0x2e: {  	s3 =	simm.s32 @!p0 $0x1082;
	s9 =	sld [smem:$0x3FA6]  }
0x2f: {  	lr =	sadd.s32 s0, s3;
	s0 =	sld [smem:$0x3F9D]  }
0x30: {  	s3 =	sld [smem:$0x3FA0]  }
0x31: {  	[smem:$0x3FA9] =	sst s10  }
0x32: {  	s10 =	sld [smem:$0x3FA7];
	_ =	sdelay $0x3  }
0x33: {  	p0 =	seq.s32 s10, $0x1;
	s10 =	sld [smem:$0x3FA9];
	_ =	sdelay $0x3  }
0x34: {  	[smem:$0x3FA9] =	sst s10  }
0x35: {  	s10 =	sld [smem:$0x3FA8];
	_ =	sdelay $0x3  }
0x36: {  	p1 =	seq.s32 s10, $0x1;
	s10 =	sld [smem:$0x3FA9];
	_ =	sdelay $0x3  }
0x37: {  	[smem:$0x3FA9] =	sst s10  }
0x38: {  	s10 =	sld [smem:$0x3FAA]  }
0x39: {  	_ = 	snop;
	(pc) =	sbr.ind lr, $3  }
0x3a: {  	_ = 	snop  }
0x3b: {  	_ = 	snop  }
0x3c: {  	p2 =	seq.s32 s10, $0x1;
	s10 =	sld [smem:$0x3FA9]  }
0x3d: {  	_ =	shalt  }
0x3e: {  	_ =	shalt  }
0x3f: {  	_ =	shalt  }
0x40: {  	_ =	shalt  }
0x41: {  	_ =	shalt  }
0x42: {  	_ =	shalt  }
0x43: {  	_ =	shalt  }
0x44: {  	_ =	shalt  }
0x45: {  	_ =	shalt  }
0x46: {  	_ =	shalt  }
0x47: {  	_ =	shalt  }
0x48: {  	_ =	shalt  }
0x49: {  	_ =	shalt  }
0x4a: {  	_ =	shalt  }
0x4b: {  	_ =	shalt  }
0x4c: {  	_ =	shalt  }
0x4d: {  	_ =	shalt  }
0x4e: {  	_ =	shalt  }
0x4f: {  	_ =	shalt  }
0x50: {  	_ =	shalt  }
0x51: {  	_ =	shalt  }
0x52: {  	_ =	shalt  }
0x53: {  	_ =	shalt  }
0x54: {  	_ =	shalt  }
0x55: {  	_ =	shalt  }
0x56: {  	_ =	shalt  }
0x57: {  	_ =	shalt  }
0x58: {  	_ =	shalt  }
0x59: {  	_ =	shalt  }
0x5a: {  	_ =	shalt  }
0x5b: {  	_ =	shalt  }
0x5c: {  	_ =	shalt  }
0x5d: {  	_ =	shalt  }
0x5e: {  	_ =	shalt  }
0x5f: {  	_ =	shalt  }
0x60: {  	_ =	shalt  }
0x61: {  	_ =	shalt  }
0x62: {  	_ =	shalt  }
0x63: {  	_ =	shalt  }
0x64: {  	_ =	shalt  }
0x65: {  	_ =	shalt  }
0x66: {  	_ =	shalt  }
0x67: {  	_ =	shalt  }
0x68: {  	_ =	shalt  }
0x69: {  	_ =	shalt  }
0x6a: {  	_ =	shalt  }
0x6b: {  	_ =	shalt  }
0x6c: {  	_ =	shalt  }
0x6d: {  	_ =	shalt  }
0x6e: {  	_ =	shalt  }
0x6f: {  	_ =	shalt  }
0x70: {  	_ =	shalt  }
0x71: {  	_ =	shalt  }
0x72: {  	_ =	shalt  }
0x73: {  	_ =	shalt  }
0x74: {  	_ =	shalt  }
0x75: {  	_ =	shalt  }
0x76: {  	_ =	shalt  }
0x77: {  	_ =	shalt  }
0x78: {  	_ =	shalt  }
0x79: {  	_ =	shalt  }
0x7a: {  	_ =	shalt  }
0x7b: {  	_ =	shalt  }
0x7c: {  	_ =	shalt  }
0x7d: {  	_ =	shalt  }
0x7e: {  	_ =	shalt  }
0x7f: {  	_ =	shalt  }
0x80: {  	_ =	shalt  }
0x81: {  	_ =	shalt  }
0x82: {  	_ =	shalt  }
0x83: {  	_ =	shalt  }
0x84: {  	_ =	shalt  }
0x85: {  	_ =	shalt  }
0x86: {  	_ =	shalt  }
0x87: {  	_ =	shalt  }
.Lfunc_end0:
.L_simem_size_0:
called_computation.1_lowered:
.L_overlay_start_0:
0x88: {  	s2 =	sld [smem:$0x3FD9]  }
0x89: {  	s3 =	sld [smem:$0x3FFE];
	_ =	sdelay $0x1  }
0x8a: {  	s1 =	srdreg.scid  }
0x8b: {  	s0 =	sand.u32 $0x1, s1  }
0x8c: {  	s16 =	sshll.u32 s0, $0xA;
	s2 =	sadd.s32 s3, s2  }
0x8d: {  	s2 =	sadd.s32 s2, s16  }
0x8e: {  	[smem:$0x3FB5] =	sst s2  }
0x8f: {  	_ = 	snop  }
0x90: {  	(tm) =	ssettm $0x1  }
0x91: {  	s17 =	sld [smem:$0x3FFB];
	_ =	sdelay $0x3  }
0x92: {  	_ =	strace s17  }
0x93: {  	s2 =	sld [smem:$0x3FFC];
	_ =	sdelay $0x3  }
0x94: {  	_ =	strace s2  }
0x95: {  	s2 =	sld [smem:$0x3FFD];
	_ =	sdelay $0x3  }
0x96: {  	_ =	strace s2  }
0x97: {  	_ =	strace $0x8FFFFFFF  }
0x98: {  	s18 =	sld [smem:$0x3FDB];
	_ =	sdelay $0x1  }
0x99: {  	s19 =	simm.s32 $_scs_section_size  }
0x9a: {  	s4 =	simm.s32 $_size__tile_overlayer_lowered;
	s5 =	simm.s32 $_tile_overlayer_lowered  }
0x9b: {  	s22 =	simm.s32 $0x1BFF;
	s21 =	sshll.u32 s5, $0x1;
	s2 =	sadd.s32 s19, s18  }
0x9c: {  	s6 =	simm.s32 $0x0;
	s20 =	sshll.u32 s4, $0x1;
	s4 =	sadd.s32 s21, s2  }
0x9d: {  	[timem:s6], [sflag:s22] =	dma.local [hbm:s4], s20  }
0x9e: {  	_ =	swait.ge [sflag:s22], s20  }
0x9f: {  	s3 =	ssub.s32 $0x0, s20;
	[sflag:s22] =	ssyncset.done $0x0  }
0xa0: {  	[sflag:s22] =	ssyncadd.s32 s3;
	_ =	sdelay $0x1  }
0xa1: {  	s23 =	simm.s32 $0x1B8B  }
0xa2: {  	_ =	swait.ge [sflag:s23], $0x1  }
0xa3: {  	[sflag:s23] =	ssyncset.done $0x0  }
0xa4: {  	s25 =	simm.s32 $0x1B8E;
	s24 =	sld [smem:$0x3FFE];
	[sflag:s23] =	ssyncadd.s32 $0xFFFFFFFF  }
0xa5: {  	s26 =	simm.s32 $execute0_lowered;
	[smem:$0x3FD2] =	sst s25  }
0xa6: {  	s4 =	sshll.u32 s26, $0x1;
	_ =	strace $0x80000049;
	[dreg:$0x1] =	wrdreg $0xFFFFFFFF  }
0xa7: {  	s28 =	simm.s32 $_size_execute0_lowered;
	s2 =	sadd.s32 s2, s4;
	[dreg:$0x0] =	wrdreg $0x0  }
0xa8: {  	s4 =	sshll.u32 s28, $0x1;
	[dreg:$0x2] =	wrdreg s2  }
0xa9: {  	[dreg:$0x3] =	wrdreg s4  }
0xaa: {  	[dreg:$0x4] =	wrdreg $0xC0  }
0xab: {  	_ =	task [dreg:s6], $0x5FFFF  }
0xac: {  	[dreg:$0x1] =	wrdreg $0xFFFFFFFF  }
0xad: {  	[dreg:$0x0] =	wrdreg $0x60  }
0xae: {  	[dreg:$0x2] =	wrdreg s24  }
0xaf: {  	[dreg:$0x3] =	wrdreg $0xB3000  }
0xb0: {  	[dreg:$0x4] =	wrdreg $0x9  }
0xb1: {  	_ =	task.clear_ibuf [dreg:s6], $0x5FFFF;
	_ =	strace $0x90000049  }
0xb2: {  	s29 =	simm.s32 $0x9;
	_ =	strace $0x8000004B  }
0xb3: {  	_ =	swait.ge [sflag:s29], $0x1  }
0xb4: {  	[sflag:s29] =	ssyncadd.s32 $0xFFFFFFFF  }
0xb5: {  	_ =	strace $0x9000004B  }
0xb6: {  	_ =	sfence  }
0xb7: {  	s30 =	sld [smem:$0x0];
	_ =	sdelay $0x2  }
0xb8: {  	s31 =	sshll.u32 s1, $0xD;
	s1 =	sshrl.u32 s1, $0x2  }
0xb9: {  	s3 =	sand.u32 $0x4000, s31;
	s1 =	sadd.s32 s1, s30  }
0xba: {  	s0 =	sor.u32 s3, s0;
	s1 =	sshll.u32 s1, $0x11  }
0xbb: {  	s0 =	sor.u32 s1, s0  }
0xbc: {  	s0 =	sadd.s32 $0x8F2B, s0  }
0xbd: {  	[sflag:s0] =	ssyncadd.remote.s32 $0x1  }
0xbe: {  	_ =	sfence.sel $0xFFFF  }
0xbf: {  	[dreg:$0x0] =	wrdreg $0xFFFFFFFF;
	(pc) =	sbr.abs _section_cstart, $3  }
0xc0: {  	[dreg:$0x1] =	wrdreg $0xFFFFFFFF  }
0xc1: {  	_ =	task.clear_ibuf [dreg:s6], $0x2FFFF;
	_ =	strace $0x9FFFFFFF  }
0xc2: {  	(tm) =	ssettm $0x7FFFFFFF  }
0xc3: {  	_ =	shalt  }
tec
execute0_lowered:
.L_overlay_start_1:
0x0: {  	(tag) =	ssettag $0x1  }
0x1: {  	s0 =	srdreg.scid  }
0x2: {  	s14 =	stileid.u32;
	s5 =	rddreg [dreg:$0x0]  }
0x3: {  	s2 =	rddreg [dreg:$0x1];
	s3 =	simm.s32 $0x0;
	s16 =	simm.s32 $0x28  }
0x4: {  	s17 =	simm.s32 $0x4F00;
	s18 =	simm.s32 $0x6300;
	s20 =	simm.s32 $0x7700  }
0x5: {  	s22 =	simm.s32 $0x8B00;
	s23 =	simm.s32 $0x9F00;
	s28 =	simm.s32 $0x3  }
0x6: {  	s29 =	simm.s32 $0x4;
	s30 =	simm.s32 $0x5;
	s31 =	simm.s32 $0x0  }
0x7: {  	s0 =	sand.u32 $0x1, s0;
	s4 =	sshll.u32 s14, $0x7;
	s7 =	smul.u32 $0x14000, s14  }
0x8: {  	[smem:$0x7FF] =	sst s3;
	s10 =	sadd.s32 $0x3D800, s5;
	s8 =	smul.u32 $0x50000, s14  }
0x9: {  	s11 =	smul.u32 $0x2800, s14;
	s26 =	sshll.u32 s14, $0x6;
	s1 =	sshll.u32 s0, $0x4  }
0xa: {  	s4 =	sand.u32 $0x380, s4;
	s6 =	smul.u32 $0x140000, s0;
	_ =	strace $0x8000004A  }
0xb: {  	s24 =	ssub.s32 $0x2, s0;
	p0 =	sne.s32 s0, $0x0;
	s1 =	sor.u32 s14, s1  }
0xc: {  	s9 =	sshrl.u32 s24, $0x1;
	s25 =	sshrl.u32 s8, $0x2;
	s14 =	simm.s32 $0x400  }
0xd: {  	s1 =	sshrl.u32 s1, $0x3;
	s6 =	sadd.s32 s7, s6;
	s9 =	ssub.s32 s24, s9  }
0xe: {  	s13 =	sadd.s32 s25, s2;
	s24 =	simm.s32 $0x1;
	s1 =	smul.u32 $0x13C00, s1  }
0xf: {  	s25 =	simm.s32 $0x7;
	s6 =	sshrl.u32 s6, $0x3;
	s9 =	smax.u32 s9, $0x1  }
0x10: {  	s12 =	sadd.s32 s6, s5;
	s1 =	sor.u32 s4, s1;
	s4 =	sadd.s32 $0x15800, s5  }
0x11: {  	s8 =	sadd.s32 $0x40000, s12;
	s12 =	simm.s32 $0x6;
	s1 =	sshrl.u32 s1, $0x3  }
0x12: {  	s1 =	sadd.s32 s1, s5;
	s5 =	sadd.s32 s4, s11;
	s11 =	sshrl.u32 s13, $0x3  }
0x13: {  	s13 =	simm.s32 $0x80;
	s6 =	sadd.s32 $0x1C00, s1;
	s7 =	sadd.s32 $0xBA00, s1  }
0x14: {  	s5 =	smov.u32 @p0 s10;
	s10 =	sor.u32 $0x1C06, s26;
	s26 =	simm.s32 $0x2  }
.LBB2_1:
0x15: {  	[spmem:s11], [sflag:s10] =	dma.local [hbm:s5], $0x2800  }
0x16: {  	_ =	swait.ge [sflag:s12], $0x2800  }
0x17: {  	[sflag:s12] =	ssyncset.done $0x0  }
0x18: {  	[sflag:s12] =	ssyncadd.s32 $0xFFFFD800  }
0x19: {  	[tilespmem:s3], [sflag:$0x6] =	stream.strided.gather [hbm4b:s6+s13], $0x2780, s14, s13, $0x38;
	[tilespmem:$0x1F300] =	vst v63  }
0x1a: {  	_ =	swait.ge [sflag:s12], $0x2780  }
0x1b: {  	[sflag:s12] =	ssyncset.done $0x0  }
0x1c: {  	s0 =	simm.s32 $0x2780;
	[sflag:s12] =	ssyncadd.s32 $0xFFFFD880  }
0x1d: {  	[tilespmem:s0], [sflag:$0x6] =	stream.strided.gather [hbm4b:s7+s13], $0x2780, s14, s13, $0x38;
	[tilespmem:$0x1F300] =	vst v63  }
0x1e: {  	_ =	swait.ge [sflag:s12], $0x2780  }
0x1f: {  	[sflag:s12] =	ssyncset.done $0x0  }
0x20: {  	[sflag:s12] =	ssyncadd.s32 $0xFFFFD880  }
0x21: {  	[bflag:$0x0] =	sbarrier.arrive $0xFFFF  }
0x22: {  	[tilespmem:s17], [sflag:$0x1] =	stream.indirect.gather [hbm4b:s4+s16], $0x80, s3, s16, $0xb8;
	[tilespmem:$0x1F300] =	vst v63  }
0x23: {  	_ = 	snop  }
0x24: {  	[tilespmem:s18], [sflag:$0x2] =	stream.indirect.gather [hbm4b:s4+s16], $0x80, s16, s16, $0xb8;
	[tilespmem:$0x1F300] =	vst v63  }
0x25: {  	s1 =	simm.s32 $0x50  }
0x26: {  	[tilespmem:s20], [sflag:$0x3] =	stream.indirect.gather [hbm4b:s4+s16], $0x80, s1, s16, $0xb8;
	[tilespmem:$0x1F300] =	vst v63  }
0x27: {  	s15 =	simm.s32 $0x78  }
0x28: {  	[tilespmem:s22], [sflag:$0x4] =	stream.indirect.gather [hbm4b:s4+s16], $0x80, s15, s16, $0xb8;
	[tilespmem:$0x1F300] =	vst v63  }
0x29: {  	s19 =	simm.s32 $0xA0  }
0x2a: {  	[tilespmem:s23], [sflag:$0x5] =	stream.indirect.gather [hbm4b:s4+s16], $0x80, s19, s16, $0xb8;
	[tilespmem:$0x1F300] =	vst v63  }
0x2b: {  	_ =	swait.ge [sflag:s24], $0x1400  }
0x2c: {  	[sflag:s24] =	ssyncset.done $0x0  }
0x2d: {  	s21 =	simm.s32 $0x2780;
	[sflag:s24] =	ssyncadd.s32 $0xFFFFEC00  }
0x2e: {  	[spmem:s2] =	stream.indirect.scatter.add.f32 [tilespmem:s17], [sflag:$0x7], $0x80, s21, s16, $0xb8;
	[tilespmem:$0x1F300] =	vst v63  }
0x2f: {  	_ =	swait.ge [sflag:s25], $0x1400  }
0x30: {  	[sflag:s25] =	ssyncset.done $0x0  }
0x31: {  	s1 =	simm.s32 $0xC8;
	[sflag:s25] =	ssyncadd.s32 $0xFFFFEC00  }
0x32: {  	[tilespmem:s17], [sflag:$0x1] =	stream.indirect.gather [hbm4b:s4+s16], $0x80, s1, s16, $0xb8;
	[tilespmem:$0x1F300] =	vst v63  }
0x33: {  	_ =	swait.ge [sflag:s26], $0x1400  }
0x34: {  	[sflag:s26] =	ssyncset.done $0x0  }
0x35: {  	s15 =	simm.s32 $0x27A8;
	[sflag:s26] =	ssyncadd.s32 $0xFFFFEC00  }
0x36: {  	[spmem:s2] =	stream.indirect.scatter.add.f32 [tilespmem:s18], [sflag:$0x7], $0x80, s15, s16, $0xb8;
	[tilespmem:$0x1F300] =	vst v63  }
0x37: {  	_ =	swait.ge [sflag:s25], $0x1400  }
0x38: {  	[sflag:s25] =	ssyncset.done $0x0  }
0x39: {  	s19 =	simm.s32 $0xF0;
	[sflag:s25] =	ssyncadd.s32 $0xFFFFEC00  }
0x3a: {  	[tilespmem:s18], [sflag:$0x2] =	stream.indirect.gather [hbm4b:s4+s16], $0x80, s19, s16, $0xb8;
	[tilespmem:$0x1F300] =	vst v63  }
0x3b: {  	_ =	swait.ge [sflag:s28], $0x1400  }
0x3c: {  	[sflag:s28] =	ssyncset.done $0x0  }
0x3d: {  	s21 =	simm.s32 $0x27D0;
	[sflag:s28] =	ssyncadd.s32 $0xFFFFEC00  }
0x3e: {  	[spmem:s2] =	stream.indirect.scatter.add.f32 [tilespmem:s20], [sflag:$0x7], $0x80, s21, s16, $0xb8;
	[tilespmem:$0x1F300] =	vst v63  }
0x3f: {  	_ =	swait.ge [sflag:s25], $0x1400  }
0x40: {  	[sflag:s25] =	ssyncset.done $0x0  }
0x41: {  	s1 =	simm.s32 $0x118;
	[sflag:s25] =	ssyncadd.s32 $0xFFFFEC00  }
0x42: {  	[tilespmem:s20], [sflag:$0x3] =	stream.indirect.gather [hbm4b:s4+s16], $0x80, s1, s16, $0xb8;
	[tilespmem:$0x1F300] =	vst v63  }
0x43: {  	_ =	swait.ge [sflag:s29], $0x1400  }
0x44: {  	[sflag:s29] =	ssyncset.done $0x0  }
0x45: {  	s15 =	simm.s32 $0x27F8;
	[sflag:s29] =	ssyncadd.s32 $0xFFFFEC00  }
0x46: {  	[spmem:s2] =	stream.indirect.scatter.add.f32 [tilespmem:s22], [sflag:$0x7], $0x80, s15, s16, $0xb8;
	[tilespmem:$0x1F300] =	vst v63  }
0x47: {  	_ =	swait.ge [sflag:s25], $0x1400  }
0x48: {  	[sflag:s25] =	ssyncset.done $0x0  }
0x49: {  	s19 =	simm.s32 $0x140;
	[sflag:s25] =	ssyncadd.s32 $0xFFFFEC00  }
0x4a: {  	[tilespmem:s22], [sflag:$0x4] =	stream.indirect.gather [hbm4b:s4+s16], $0x80, s19, s16, $0xb8;
	[tilespmem:$0x1F300] =	vst v63  }
0x4b: {  	_ =	swait.ge [sflag:s30], $0x1400  }
0x4c: {  	[sflag:s30] =	ssyncset.done $0x0  }
0x4d: {  	s21 =	simm.s32 $0x2820;
	[sflag:s30] =	ssyncadd.s32 $0xFFFFEC00  }
0x4e: {  	[spmem:s2] =	stream.indirect.scatter.add.f32 [tilespmem:s23], [sflag:$0x6], $0x80, s21, s16, $0xb8;
	[tilespmem:$0x1F300] =	vst v63  }
0x4f: {  	_ =	swait.ge [sflag:s12], $0x1400  }
0x50: {  	s0 =	simm.s32 $0x640;
	s1 =	simm.s32 $0xC8;
	[sflag:s12] =	ssyncset.done $0x0  }
.LBB2_2:
0x51: {  	s21 =	sadd.s32 $0xA0, s1  }
0x52: {  	[sflag:s12] =	ssyncadd.s32 $0xFFFFEC00;
	s15 =	smov.u32 s0;
	s19 =	sadd.s32 $0x320, s0  }
0x53: {  	[tilespmem:s23], [sflag:$0x5] =	stream.indirect.gather [hbm4b:s4+s16], $0x80, s21, s16, $0xb8;
	[tilespmem:$0x1F300] =	vst v63  }
0x54: {  	p0 =	sne.s32 s0, $0x9600;
	_ =	swait.ge [sflag:s24], $0x1400  }
0x55: {  	[sflag:s24] =	ssyncset.done $0x0  }
0x56: {  	s0 =	sadd.s32 $0x2780, s1;
	[sflag:s24] =	ssyncadd.s32 $0xFFFFEC00  }
0x57: {  	[spmem:s2] =	stream.indirect.scatter.add.f32 [tilespmem:s17], [sflag:$0x7], $0x80, s0, s16, $0xb8;
	[tilespmem:$0x1F300] =	vst v63  }
0x58: {  	_ =	swait.ge [sflag:s25], $0x1400  }
0x59: {  	[sflag:s25] =	ssyncset.done $0x0  }
0x5a: {  	s0 =	sadd.s32 $0xC8, s1;
	[sflag:s25] =	ssyncadd.s32 $0xFFFFEC00  }
0x5b: {  	[tilespmem:s17], [sflag:$0x1] =	stream.indirect.gather [hbm4b:s4+s16], $0x80, s0, s16, $0xb8;
	[tilespmem:$0x1F300] =	vst v63  }
0x5c: {  	_ =	swait.ge [sflag:s26], $0x1400  }
0x5d: {  	[sflag:s26] =	ssyncset.done $0x0  }
0x5e: {  	s0 =	sadd.s32 $0x27A8, s1;
	[sflag:s26] =	ssyncadd.s32 $0xFFFFEC00  }
0x5f: {  	[spmem:s2] =	stream.indirect.scatter.add.f32 [tilespmem:s18], [sflag:$0x7], $0x80, s0, s16, $0xb8;
	[tilespmem:$0x1F300] =	vst v63  }
0x60: {  	_ =	swait.ge [sflag:s25], $0x1400  }
0x61: {  	[sflag:s25] =	ssyncset.done $0x0  }
0x62: {  	s0 =	sadd.s32 $0xF0, s1;
	[sflag:s25] =	ssyncadd.s32 $0xFFFFEC00  }
0x63: {  	[tilespmem:s18], [sflag:$0x2] =	stream.indirect.gather [hbm4b:s4+s16], $0x80, s0, s16, $0xb8;
	[tilespmem:$0x1F300] =	vst v63  }
0x64: {  	_ =	swait.ge [sflag:s28], $0x1400  }
0x65: {  	[sflag:s28] =	ssyncset.done $0x0  }
0x66: {  	s0 =	sadd.s32 $0x27D0, s1;
	[sflag:s28] =	ssyncadd.s32 $0xFFFFEC00  }
0x67: {  	[spmem:s2] =	stream.indirect.scatter.add.f32 [tilespmem:s20], [sflag:$0x7], $0x80, s0, s16, $0xb8;
	[tilespmem:$0x1F300] =	vst v63  }
0x68: {  	_ =	swait.ge [sflag:s25], $0x1400  }
0x69: {  	[sflag:s25] =	ssyncset.done $0x0  }
0x6a: {  	s0 =	sadd.s32 $0x118, s1;
	[sflag:s25] =	ssyncadd.s32 $0xFFFFEC00  }
0x6b: {  	[tilespmem:s20], [sflag:$0x3] =	stream.indirect.gather [hbm4b:s4+s16], $0x80, s0, s16, $0xb8;
	[tilespmem:$0x1F300] =	vst v63  }
0x6c: {  	_ =	swait.ge [sflag:s29], $0x1400  }
0x6d: {  	[sflag:s29] =	ssyncset.done $0x0  }
0x6e: {  	s0 =	sadd.s32 $0x27F8, s1;
	[sflag:s29] =	ssyncadd.s32 $0xFFFFEC00  }
0x6f: {  	[spmem:s2] =	stream.indirect.scatter.add.f32 [tilespmem:s22], [sflag:$0x7], $0x80, s0, s16, $0xb8;
	[tilespmem:$0x1F300] =	vst v63  }
0x70: {  	_ =	swait.ge [sflag:s25], $0x1400  }
0x71: {  	[sflag:s25] =	ssyncset.done $0x0  }
0x72: {  	s0 =	sadd.s32 $0x140, s1;
	[sflag:s25] =	ssyncadd.s32 $0xFFFFEC00  }
0x73: {  	[tilespmem:s22], [sflag:$0x4] =	stream.indirect.gather [hbm4b:s4+s16], $0x80, s0, s16, $0xb8;
	[tilespmem:$0x1F300] =	vst v63  }
0x74: {  	_ =	swait.ge [sflag:s30], $0x1400  }
.Ltmp0:
0x75: {  	[sflag:s30] =	ssyncset.done $0x0;
	(pc) =	sbr.rel @p0 .LBB2_2-.Ltmp0, $4  }
0x76: {  	s0 =	sadd.s32 $0x2820, s1;
	[sflag:s30] =	ssyncadd.s32 $0xFFFFEC00  }
0x77: {  	[spmem:s2] =	stream.indirect.scatter.add.f32 [tilespmem:s23], [sflag:$0x6], $0x80, s0, s16, $0xb8;
	[tilespmem:$0x1F300] =	vst v63  }
0x78: {  	_ =	swait.ge [sflag:s12], $0x1400  }
0x79: {  	s1 =	sshra.s32 s15, $0x2;
	s0 =	smov.u32 s19;
	[sflag:s12] =	ssyncset.done $0x0  }
0x7a: {  	s0 =	sadd.s32 $0xA0, s1;
	[sflag:s12] =	ssyncadd.s32 $0xFFFFEC00  }
0x7b: {  	[tilespmem:s23], [sflag:$0x5] =	stream.indirect.gather [hbm4b:s4+s16], $0x80, s0, s16, $0xb8;
	[tilespmem:$0x1F300] =	vst v63  }
0x7c: {  	_ =	swait.ge [sflag:s24], $0x1400  }
0x7d: {  	[sflag:s24] =	ssyncset.done $0x0  }
0x7e: {  	s19 =	sadd.s32 $0x2780, s1;
	[sflag:s24] =	ssyncadd.s32 $0xFFFFEC00  }
0x7f: {  	[spmem:s2] =	stream.indirect.scatter.add.f32 [tilespmem:s17], [sflag:$0x7], $0x80, s19, s16, $0xb8;
	[tilespmem:$0x1F300] =	vst v63  }
0x80: {  	_ =	swait.ge [sflag:s25], $0x1400  }
0x81: {  	[sflag:s25] =	ssyncset.done $0x0  }
0x82: {  	s21 =	sadd.s32 $0xC8, s1;
	[sflag:s25] =	ssyncadd.s32 $0xFFFFEC00  }
0x83: {  	[tilespmem:s17], [sflag:$0x1] =	stream.indirect.gather [hbm4b:s4+s16], $0x80, s21, s16, $0xb8;
	[tilespmem:$0x1F300] =	vst v63  }
0x84: {  	_ =	swait.ge [sflag:s26], $0x1400  }
0x85: {  	[sflag:s26] =	ssyncset.done $0x0  }
0x86: {  	s15 =	sadd.s32 $0x27A8, s1;
	[sflag:s26] =	ssyncadd.s32 $0xFFFFEC00  }
0x87: {  	[spmem:s2] =	stream.indirect.scatter.add.f32 [tilespmem:s18], [sflag:$0x7], $0x80, s15, s16, $0xb8;
	[tilespmem:$0x1F300] =	vst v63  }
0x88: {  	_ =	swait.ge [sflag:s25], $0x1400  }
0x89: {  	[sflag:s25] =	ssyncset.done $0x0  }
0x8a: {  	s19 =	sadd.s32 $0xF0, s1;
	[sflag:s25] =	ssyncadd.s32 $0xFFFFEC00  }
0x8b: {  	[tilespmem:s18], [sflag:$0x2] =	stream.indirect.gather [hbm4b:s4+s16], $0x80, s19, s16, $0xb8;
	[tilespmem:$0x1F300] =	vst v63  }
0x8c: {  	_ =	swait.ge [sflag:s28], $0x1400  }
0x8d: {  	[sflag:s28] =	ssyncset.done $0x0  }
0x8e: {  	s21 =	sadd.s32 $0x27D0, s1;
	[sflag:s28] =	ssyncadd.s32 $0xFFFFEC00  }
0x8f: {  	[spmem:s2] =	stream.indirect.scatter.add.f32 [tilespmem:s20], [sflag:$0x7], $0x80, s21, s16, $0xb8;
	[tilespmem:$0x1F300] =	vst v63  }
0x90: {  	_ =	swait.ge [sflag:s25], $0x1400  }
0x91: {  	[sflag:s25] =	ssyncset.done $0x0  }
0x92: {  	s15 =	sadd.s32 $0x118, s1;
	[sflag:s25] =	ssyncadd.s32 $0xFFFFEC00  }
0x93: {  	[tilespmem:s20], [sflag:$0x3] =	stream.indirect.gather [hbm4b:s4+s16], $0x80, s15, s16, $0xb8;
	[tilespmem:$0x1F300] =	vst v63  }
0x94: {  	_ =	swait.ge [sflag:s29], $0x1400  }
0x95: {  	[sflag:s29] =	ssyncset.done $0x0  }
0x96: {  	s19 =	sadd.s32 $0x27F8, s1;
	[sflag:s29] =	ssyncadd.s32 $0xFFFFEC00  }
0x97: {  	[spmem:s2] =	stream.indirect.scatter.add.f32 [tilespmem:s22], [sflag:$0x7], $0x80, s19, s16, $0xb8;
	[tilespmem:$0x1F300] =	vst v63  }
0x98: {  	_ =	swait.ge [sflag:s25], $0x1400  }
0x99: {  	[sflag:s25] =	ssyncset.done $0x0  }
0x9a: {  	s21 =	sadd.s32 $0x140, s1;
	[sflag:s25] =	ssyncadd.s32 $0xFFFFEC00  }
0x9b: {  	[tilespmem:s22], [sflag:$0x4] =	stream.indirect.gather [hbm4b:s4+s16], $0x80, s21, s16, $0xb8;
	[tilespmem:$0x1F300] =	vst v63  }
0x9c: {  	_ =	swait.ge [sflag:s30], $0x1400  }
0x9d: {  	[sflag:s30] =	ssyncset.done $0x0  }
0x9e: {  	s15 =	sadd.s32 $0x2820, s1;
	[sflag:s30] =	ssyncadd.s32 $0xFFFFEC00  }
0x9f: {  	[spmem:s2] =	stream.indirect.scatter.add.f32 [tilespmem:s23], [sflag:$0x6], $0x80, s15, s16, $0xb8;
	[tilespmem:$0x1F300] =	vst v63  }
0xa0: {  	_ =	swait.ge [sflag:s12], $0x1400  }
0xa1: {  	[sflag:s12] =	ssyncset.done $0x0  }
0xa2: {  	s19 =	simm.s32 $0x26E8;
	[sflag:s12] =	ssyncadd.s32 $0xFFFFEC00  }
0xa3: {  	[tilespmem:s23], [sflag:$0x5] =	stream.indirect.gather [hbm4b:s4+s16], $0x80, s19, s16, $0xb8;
	[tilespmem:$0x1F300] =	vst v63  }
0xa4: {  	_ =	swait.ge [sflag:s24], $0x1400  }
0xa5: {  	[sflag:s24] =	ssyncset.done $0x0  }
0xa6: {  	s21 =	simm.s32 $0x4DC8;
	[sflag:s24] =	ssyncadd.s32 $0xFFFFEC00  }
0xa7: {  	[spmem:s2] =	stream.indirect.scatter.add.f32 [tilespmem:s17], [sflag:$0x7], $0x80, s21, s16, $0xb8;
	[tilespmem:$0x1F300] =	vst v63  }
0xa8: {  	_ =	swait.ge [sflag:s25], $0x1400  }
0xa9: {  	[sflag:s25] =	ssyncset.done $0x0  }
0xaa: {  	[sflag:s25] =	ssyncadd.s32 $0xFFFFEC00  }
0xab: {  	_ =	swait.ge [sflag:s26], $0x1400  }
0xac: {  	[sflag:s26] =	ssyncset.done $0x0  }
0xad: {  	s1 =	simm.s32 $0x4DF0;
	[sflag:s26] =	ssyncadd.s32 $0xFFFFEC00  }
0xae: {  	[spmem:s2] =	stream.indirect.scatter.add.f32 [tilespmem:s18], [sflag:$0x7], $0x80, s1, s16, $0xb8;
	[tilespmem:$0x1F300] =	vst v63  }
0xaf: {  	_ =	swait.ge [sflag:s25], $0x1400  }
0xb0: {  	[sflag:s25] =	ssyncset.done $0x0  }
0xb1: {  	[sflag:s25] =	ssyncadd.s32 $0xFFFFEC00  }
0xb2: {  	_ =	swait.ge [sflag:s28], $0x1400  }
0xb3: {  	[sflag:s28] =	ssyncset.done $0x0  }
0xb4: {  	s15 =	simm.s32 $0x4E18;
	[sflag:s28] =	ssyncadd.s32 $0xFFFFEC00  }
0xb5: {  	[spmem:s2] =	stream.indirect.scatter.add.f32 [tilespmem:s20], [sflag:$0x7], $0x80, s15, s16, $0xb8;
	[tilespmem:$0x1F300] =	vst v63  }
0xb6: {  	_ =	swait.ge [sflag:s25], $0x1400  }
0xb7: {  	[sflag:s25] =	ssyncset.done $0x0  }
0xb8: {  	[sflag:s25] =	ssyncadd.s32 $0xFFFFEC00  }
0xb9: {  	_ =	swait.ge [sflag:s29], $0x1400  }
0xba: {  	[sflag:s29] =	ssyncset.done $0x0  }
0xbb: {  	s19 =	simm.s32 $0x4E40;
	[sflag:s29] =	ssyncadd.s32 $0xFFFFEC00  }
0xbc: {  	[spmem:s2] =	stream.indirect.scatter.add.f32 [tilespmem:s22], [sflag:$0x7], $0x80, s19, s16, $0xb8;
	[tilespmem:$0x1F300] =	vst v63  }
0xbd: {  	_ =	swait.ge [sflag:s25], $0x1400  }
0xbe: {  	[sflag:s25] =	ssyncset.done $0x0  }
0xbf: {  	[sflag:s25] =	ssyncadd.s32 $0xFFFFEC00  }
0xc0: {  	_ =	swait.ge [sflag:s30], $0x1400  }
0xc1: {  	[sflag:s30] =	ssyncset.done $0x0  }
0xc2: {  	s21 =	simm.s32 $0x4E68;
	[sflag:s30] =	ssyncadd.s32 $0xFFFFEC00  }
0xc3: {  	[spmem:s2] =	stream.indirect.scatter.add.f32 [tilespmem:s23], [sflag:$0x6], $0x80, s21, s16, $0xb8;
	[tilespmem:$0x1F300] =	vst v63  }
0xc4: {  	_ =	swait.ge [sflag:s12], $0x1400  }
0xc5: {  	s31 =	sadd.s32 $0x1, s31;
	[sflag:s12] =	ssyncset.done $0x0  }
0xc6: {  	p0 =	sne.s32 s31, s9;
	[sflag:s12] =	ssyncadd.s32 $0xFFFFEC00  }
.Ltmp1:
0xc7: {  	[bflag:$0x0] =	sbarrier.arrive $0xFFFF;
	(pc) =	sbr.rel @p0 .LBB2_1-.Ltmp1, $4  }
0xc8: {  	[hbm:s8], [sflag:s10] =	dma.local [spmem:s11], $0x2800  }
0xc9: {  	_ =	swait.ge [sflag:s12], $0x2800  }
0xca: {  	[sflag:s12] =	ssyncset.done $0x0  }
0xcb: {  	[sflag:s12] =	ssyncadd.s32 $0xFFFFD800  }
0xcc: {  	_ =	sfence.sel $0x180000  }
0xcd: {  	[bflag:$0x0] =	sbarrier.arrive $0xFFFF  }
0xce: {  	_ =	strace $0x9000004A  }
0xcf: {  	s0 =	stileid.u32;
	[bflag:$0x2] =	sbarrier.arrive $0xFFFF  }
0xd0: {  	p0 =	sne.s32 s0, $0x0;
	s0 =	rddreg [dreg:$0x2]  }
0xd1: {  	s0 =	sadd.s32 @!p0 $0x100000, s0  }
0xd2: {  	[sflag:s0] =	ssyncadd.tile.s32 @!p0 $0x1;
	_ =	shalt  }
.Lfunc_end2:
_tile_overlayer_lowered:
.L_overlay_start_2:
0xd3: {  	(tag) =	ssettag $0x2  }
0xd4: {  	s0 =	rddreg [dreg:$0x0];
	s2 =	stileid.u32  }
0xd5: {  	s1 =	rddreg [dreg:$0x1];
	p0 =	sne.s32 s2, $0x0  }
0xd6: {  	s3 =	rddreg [dreg:$0x2];
	[bflag:$0x3] =	sbarrier.arrive $0xFFFF;
	s2 =	simm.s32 @!p0 $0x1C06  }
0xd7: {  	[timem:s3], [sflag:s2] =	dma.local @!p0 [hbm:s0], s1  }
0xd8: {  	s0 =	simm.s32 @!p0 $0x6  }
0xd9: {  	_ =	swait.ge @!p0 [sflag:s0], s1  }
0xda: {  	s1 =	ssub.s32 @!p0 $0x0, s1;
	[sflag:s0] =	ssyncset.done @!p0 $0x0  }
0xdb: {  	[sflag:s0] =	ssyncadd.s32 @!p0 s1  }
0xdc: {  	[bflag:$0x3] =	sbarrier.arrive $0xFFFF  }
0xdd: {  	_ =	shalt  }

</sc_bundles>
